<compile_context>
chip_gen: v7x
topology: tpu7x:2x2x1
jax: 0.10.2.dev20260603
libtpu: 0.0.44.dev20260713+nightly
codegen_flags: <defaults>
</compile_context>

<pallas_src>
import functools

import jax
import jax.numpy as jnp
from jax import lax
from jax.experimental import pallas as pl
from jax.experimental.pallas import tpu as pltpu
from jax.experimental.pallas import tpu_sc as plsc

NUM_FIELDS = 26
VOCAB = 100000
EMBED_DIM = 32
BATCH = 16384

NUM_CORES = 2
NUM_SUBCORES = 16
NW = NUM_CORES * NUM_SUBCORES
CHUNK = 4096
NCH = BATCH // CHUNK
LANES = 16
UNROLL = 8


@functools.partial(
    pl.kernel,
    out_type=[
        jax.ShapeDtypeStruct((NUM_FIELDS, BATCH), jnp.float32),
        jax.ShapeDtypeStruct((NUM_FIELDS * EMBED_DIM, BATCH), jnp.float32),
    ],
    mesh=plsc.VectorSubcoreMesh(core_axis_name="c", subcore_axis_name="s"),
    compiler_params=pltpu.CompilerParams(
        use_tc_tiling_on_sc=True, needs_layout_passes=False),
    scratch_types=[
        pltpu.VMEM((1, VOCAB), jnp.float32),
        pltpu.VMEM((2, CHUNK), jnp.int32),
        pltpu.VMEM((2, CHUNK), jnp.float32),
        pltpu.SemaphoreType.DMA,
        pltpu.SemaphoreType.DMA,
        pltpu.SemaphoreType.DMA,
    ],
)
def _lookup(feats_t, tab2, fo2, fo_out, emb_out,
            row_v, idx_v, out_v, sem_i0, sem_i1, sem_w):
    wid = lax.axis_index("s") * NUM_CORES + lax.axis_index("c")
    isem = (sem_i0, sem_i1)
    upper = NUM_FIELDS + jnp.where(wid < NUM_FIELDS, 1, 0)

    def drain_write():
        pltpu.make_async_copy(
            out_v.at[0], emb_out.at[0, pl.ds(0, CHUNK)], sem_w).wait()

    def task_body(t, _):
        fld = jnp.where(t < NUM_FIELDS, t, wid)
        for b in range(2):
            pltpu.async_copy(
                feats_t.at[fld, pl.ds(b * CHUNK, CHUNK)], idx_v.at[b], isem[b])

        @pl.when(t < NUM_FIELDS)
        def _():
            pltpu.sync_copy(tab2.at[t * EMBED_DIM + wid], row_v.at[0])

        @pl.when(t == NUM_FIELDS)
        def _():
            pltpu.sync_copy(fo2.at[wid], row_v.at[0])

        for c in range(NCH):
            b = c % 2
            pltpu.make_async_copy(
                feats_t.at[0, pl.ds(0, CHUNK)], idx_v.at[b], isem[b]).wait()

            @plsc.parallel_loop(0, CHUNK, LANES, unroll=UNROLL)
            def _g(o):
                iv = idx_v[b, pl.ds(o, LANES)]
                out_v[b, pl.ds(o, LANES)] = plsc.load_gather(
                    row_v.at[0], [iv])
            if c + 2 < NCH:
                pltpu.async_copy(
                    feats_t.at[fld, pl.ds((c + 2) * CHUNK, CHUNK)],
                    idx_v.at[b], isem[b])
            if c == 0:
                @pl.when(t != 0)
                def _():
                    drain_write()
            else:
                drain_write()

            @pl.when(t < NUM_FIELDS)
            def _():
                pltpu.async_copy(
                    out_v.at[b],
                    emb_out.at[t * EMBED_DIM + wid, pl.ds(c * CHUNK, CHUNK)],
                    sem_w)

            @pl.when(t == NUM_FIELDS)
            def _():
                pltpu.async_copy(
                    out_v.at[b],
                    fo_out.at[wid, pl.ds(c * CHUNK, CHUNK)], sem_w)
        return 0

    lax.fori_loop(0, upper, task_body, 0)
    drain_write()


def kernel(features_batch, tables, fo_tables):
    feats_t = features_batch.astype(jnp.int32).T
    tab2 = jnp.transpose(tables, (0, 2, 1)).reshape(
        NUM_FIELDS * EMBED_DIM, VOCAB)
    fo2 = fo_tables.reshape(NUM_FIELDS, VOCAB)
    fo_t, emb2 = _lookup(feats_t, tab2, fo2)
    emb = jnp.transpose(
        emb2.reshape(NUM_FIELDS, EMBED_DIM, BATCH), (2, 0, 1))
    fo = fo_t.T[:, :, None]
    return fo, emb

# --- scband reference (transcript-rebuilt; emitter-appended) ---
"""Pipeline reference for scband-embedding-layer-14078902796884 (READ-ONLY COPY).

The authoritative reference and input builder live on the scoring server;
editing this copy changes nothing except your own understanding.
"""

import jax, jax.numpy as jnp
import numpy as np

NUM_FIELDS = 26
VOCAB = 100000
EMBED_DIM = 32
BATCH = 16384

def setup_inputs(seed: int = 0) -> dict:
    key = jax.random.key(seed)
    k_idx, k_tab, k_fo = jax.random.split(key, 3)
    features_batch = jax.random.randint(k_idx, (BATCH, NUM_FIELDS), 0, VOCAB, dtype=jnp.int64 if jax.config.jax_enable_x64 else jnp.int32)
    # Learned parameters: one embedding table per field, stacked along axis 0.
    tables = jax.random.normal(k_tab, (NUM_FIELDS, VOCAB, EMBED_DIM), dtype=jnp.float32)
    fo_tables = jax.random.normal(k_fo, (NUM_FIELDS, VOCAB, 1), dtype=jnp.float32)
    return {"features_batch": features_batch, "tables": tables, "fo_tables": fo_tables}

def reference(features_batch, tables, fo_tables):
    # Per-field embedding lookups (gather), then stack along field dim.
    feature_embeddings = [jnp.take(tables[i], features_batch[:, i], axis=0) for i in range(NUM_FIELDS)]
    first_order_embeddings = [jnp.take(fo_tables[i], features_batch[:, i], axis=0) for i in range(NUM_FIELDS)]
    return (jnp.stack(first_order_embeddings, axis=1), jnp.stack(feature_embeddings, axis=1))

if __name__ == "__main__":
    import jax
    _d = setup_inputs()
    print(jax.jit(kernel)(*tuple(_d.values())))

</pallas_src>

<mosaic_0001>
#map = affine_map<(d0, d1) -> (0, 0)>
module attributes {stable_mosaic.version = 14 : i64} {
  func.func @_lookup(%arg0: i32, %arg1: i32, %arg2: memref<26x16384xi32, #tpu.memory_space<hbm>>, %arg3: memref<832x100000xf32, #tpu.memory_space<hbm>>, %arg4: memref<26x100000xf32, #tpu.memory_space<hbm>>, %arg5: memref<26x16384xf32, #tpu.memory_space<hbm>>, %arg6: memref<832x16384xf32, #tpu.memory_space<hbm>>, %arg7: memref<1x100000xf32, #tpu.memory_space<vmem>>, %arg8: memref<2x4096xi32, #tpu.memory_space<vmem>>, %arg9: memref<2x4096xf32, #tpu.memory_space<vmem>>, %arg10: memref<!tpu.dma_semaphore, #tpu.memory_space<semaphore_mem>>, %arg11: memref<!tpu.dma_semaphore, #tpu.memory_space<semaphore_mem>>, %arg12: memref<!tpu.dma_semaphore, #tpu.memory_space<semaphore_mem>>) attributes {dimension_semantics = [#tpu.dimension_semantics<core_parallel>, #tpu.dimension_semantics<subcore_parallel>], iteration_bounds = array<i64: 2, 16>, scalar_prefetch = 0 : i64, scratch_operands = 6 : i64, tpu.core_type = #tpu.core_type<sc_vector_subcore>, window_params = [{transform_indices = #map}, {transform_indices = #map}, {transform_indices = #map}, {transform_indices = #map}, {transform_indices = #map}]} {
    %mul3A = arith.constant 2 : i32
    %mul3A_0 = arith.muli %arg1, %mul3A : i32
    %add3A = arith.addi %mul3A_0, %arg0 : i32
    %lt3A = arith.constant 26 : i32
    %lt3A_1 = arith.cmpi slt, %add3A, %lt3A : i32
    %jit3A = arith.constant 1 : i32
    %jit3A_2 = arith.constant 0 : i32
    %select_n3A = arith.select %lt3A_1, %jit3A, %jit3A_2 : i32
    %add3A_3 = arith.constant 26 : i32
    %add3A_4 = arith.addi %add3A_3, %select_n3A : i32
    %while3A = arith.constant 0 : i32
    %while3A_5 = arith.constant 0 : i32
    %while3A_6 = arith.subi %add3A_4, %while3A : i32
    %while3A_7 = arith.addi %while3A, %while3A_6 : i32
    %while3A_8 = arith.constant 1 : i32
    %while3A_9 = arith.divsi %while3A_6, %while3A_8 : i32
    %while3A_10 = arith.muli %while3A_9, %while3A_8 : i32
    %while3A_11 = arith.addi %while3A, %while3A_10 : i32
    %while3A_12 = arith.constant 1 : i32
    %while3A_13 = scf.for %while3A_29 = %while3A to %while3A_11 step %while3A_12 iter_args(%while3A_30 = %while3A_5) -> (i32)  : i32 {
      %lt3A_31 = arith.constant 26 : i32
      %lt3A_32 = arith.cmpi slt, %while3A_29, %lt3A_31 : i32
      %select_n3A_33 = arith.select %lt3A_32, %while3A_29, %add3A : i32
      %dma_start3A = arith.constant 0 : i32
      %dma_start3A_34 = arith.constant 0 : i32
      %dma_start3A_35 = tpu.memref_slice %arg8[%dma_start3A, %dma_start3A_34] : memref<2x4096xi32, #tpu.memory_space<vmem>> -> memref<1x4096xi32, #tpu.memory_space<vmem>>
      %dma_start3A_36 = tpu.memref_squeeze %dma_start3A_35 : memref<1x4096xi32, #tpu.memory_space<vmem>> -> memref<4096xi32, #tpu.memory_space<vmem>>
      %dma_start3A_37 = arith.constant 0 : i32
      %dma_start3A_38 = tpu.memref_slice %arg2[%select_n3A_33, %dma_start3A_37] : memref<26x16384xi32, #tpu.memory_space<hbm>> -> memref<1x4096xi32, #tpu.memory_space<hbm>>
      %dma_start3A_39 = tpu.memref_squeeze %dma_start3A_38 : memref<1x4096xi32, #tpu.memory_space<hbm>> -> memref<4096xi32, #tpu.memory_space<hbm>>
      %dma_start3A_40 = arith.constant 0 : i32
      %dma_start3A_41 = tpu.memref_slice %arg8[%dma_start3A, %dma_start3A_40] : memref<2x4096xi32, #tpu.memory_space<vmem>> -> memref<1x4096xi32, #tpu.memory_space<vmem>>
      %dma_start3A_42 = tpu.memref_squeeze %dma_start3A_41 : memref<1x4096xi32, #tpu.memory_space<vmem>> -> memref<4096xi32, #tpu.memory_space<vmem>>
      %dma_start3A_43 = arith.constant 0 : i32
      %dma_start3A_44 = tpu.memref_slice %arg2[%select_n3A_33, %dma_start3A_43] : memref<26x16384xi32, #tpu.memory_space<hbm>> -> memref<1x4096xi32, #tpu.memory_space<hbm>>
      %dma_start3A_45 = tpu.memref_squeeze %dma_start3A_44 : memref<1x4096xi32, #tpu.memory_space<hbm>> -> memref<4096xi32, #tpu.memory_space<hbm>>
      tpu.enqueue_dma source(%dma_start3A_45 : memref<4096xi32, #tpu.memory_space<hbm>>) target(%dma_start3A_42 : memref<4096xi32, #tpu.memory_space<vmem>>) target_semaphore(%arg10 : memref<!tpu.dma_semaphore, #tpu.memory_space<semaphore_mem>>)
      %dma_start3A_46 = arith.constant 1 : i32
      %dma_start3A_47 = arith.constant 0 : i32
      %dma_start3A_48 = tpu.memref_slice %arg8[%dma_start3A_46, %dma_start3A_47] : memref<2x4096xi32, #tpu.memory_space<vmem>> -> memref<1x4096xi32, #tpu.memory_space<vmem>>
      %dma_start3A_49 = tpu.memref_squeeze %dma_start3A_48 : memref<1x4096xi32, #tpu.memory_space<vmem>> -> memref<4096xi32, #tpu.memory_space<vmem>>
      %dma_start3A_50 = arith.constant 4096 : i32
      %dma_start3A_51 = tpu.memref_slice %arg2[%select_n3A_33, %dma_start3A_50] : memref<26x16384xi32, #tpu.memory_space<hbm>> -> memref<1x4096xi32, #tpu.memory_space<hbm>>
      %dma_start3A_52 = tpu.memref_squeeze %dma_start3A_51 : memref<1x4096xi32, #tpu.memory_space<hbm>> -> memref<4096xi32, #tpu.memory_space<hbm>>
      %dma_start3A_53 = arith.constant 0 : i32
      %dma_start3A_54 = tpu.memref_slice %arg8[%dma_start3A_46, %dma_start3A_53] : memref<2x4096xi32, #tpu.memory_space<vmem>> -> memref<1x4096xi32, #tpu.memory_space<vmem>>
      %dma_start3A_55 = tpu.memref_squeeze %dma_start3A_54 : memref<1x4096xi32, #tpu.memory_space<vmem>> -> memref<4096xi32, #tpu.memory_space<vmem>>
      %dma_start3A_56 = arith.constant 4096 : i32
      %dma_start3A_57 = tpu.memref_slice %arg2[%select_n3A_33, %dma_start3A_56] : memref<26x16384xi32, #tpu.memory_space<hbm>> -> memref<1x4096xi32, #tpu.memory_space<hbm>>
      %dma_start3A_58 = tpu.memref_squeeze %dma_start3A_57 : memref<1x4096xi32, #tpu.memory_space<hbm>> -> memref<4096xi32, #tpu.memory_space<hbm>>
      tpu.enqueue_dma source(%dma_start3A_58 : memref<4096xi32, #tpu.memory_space<hbm>>) target(%dma_start3A_55 : memref<4096xi32, #tpu.memory_space<vmem>>) target_semaphore(%arg11 : memref<!tpu.dma_semaphore, #tpu.memory_space<semaphore_mem>>)
      %lt3A_59 = arith.constant 26 : i32
      %lt3A_60 = arith.cmpi slt, %while3A_29, %lt3A_59 : i32
      %convert_element_type3A = arith.extui %lt3A_60 : i1 to i32
      %cond3A = arith.constant 0 : i32
      %cond3A_61 = arith.cmpi ne, %convert_element_type3A, %cond3A : i32
      scf.if %cond3A_61 {
        %mul3A_246 = arith.constant 32 : i32
        %mul3A_247 = arith.muli %while3A_29, %mul3A_246 : i32
        %add3A_248 = arith.addi %mul3A_247, %add3A : i32
        %run_scoped3A = arith.constant 0 : i32
        "tpu.region"() ({
          %run_scoped3A_249 = tpu.sem_alloc : memref<!tpu.dma_semaphore, #tpu.memory_space<semaphore_mem>>
          %dma_start3A_250 = arith.constant 0 : i32
          %dma_start3A_251 = tpu.memref_slice %arg7[%run_scoped3A, %dma_start3A_250] : memref<1x100000xf32, #tpu.memory_space<vmem>> -> memref<1x100000xf32, #tpu.memory_space<vmem>>
          %dma_start3A_252 = tpu.memref_squeeze %dma_start3A_251 : memref<1x100000xf32, #tpu.memory_space<vmem>> -> memref<100000xf32, #tpu.memory_space<vmem>>
          %dma_start3A_253 = arith.constant 0 : i32
          %dma_start3A_254 = tpu.memref_slice %arg3[%add3A_248, %dma_start3A_253] : memref<832x100000xf32, #tpu.memory_space<hbm>> -> memref<1x100000xf32, #tpu.memory_space<hbm>>
          %dma_start3A_255 = tpu.memref_squeeze %dma_start3A_254 : memref<1x100000xf32, #tpu.memory_space<hbm>> -> memref<100000xf32, #tpu.memory_space<hbm>>
          %dma_start3A_256 = arith.constant 0 : i32
          %dma_start3A_257 = tpu.memref_slice %arg7[%run_scoped3A, %dma_start3A_256] : memref<1x100000xf32, #tpu.memory_space<vmem>> -> memref<1x100000xf32, #tpu.memory_space<vmem>>
          %dma_start3A_258 = tpu.memref_squeeze %dma_start3A_257 : memref<1x100000xf32, #tpu.memory_space<vmem>> -> memref<100000xf32, #tpu.memory_space<vmem>>
          %dma_start3A_259 = arith.constant 0 : i32
          %dma_start3A_260 = tpu.memref_slice %arg3[%add3A_248, %dma_start3A_259] : memref<832x100000xf32, #tpu.memory_space<hbm>> -> memref<1x100000xf32, #tpu.memory_space<hbm>>
          %dma_start3A_261 = tpu.memref_squeeze %dma_start3A_260 : memref<1x100000xf32, #tpu.memory_space<hbm>> -> memref<100000xf32, #tpu.memory_space<hbm>>
          tpu.enqueue_dma source(%dma_start3A_261 : memref<100000xf32, #tpu.memory_space<hbm>>) target(%dma_start3A_258 : memref<100000xf32, #tpu.memory_space<vmem>>) target_semaphore(%run_scoped3A_249 : memref<!tpu.dma_semaphore, #tpu.memory_space<semaphore_mem>>)
          %dma_wait3A_262 = arith.constant 0 : i32
          %dma_wait3A_263 = tpu.memref_slice %arg7[%run_scoped3A, %dma_wait3A_262] : memref<1x100000xf32, #tpu.memory_space<vmem>> -> memref<1x100000xf32, #tpu.memory_space<vmem>>
          %dma_wait3A_264 = tpu.memref_squeeze %dma_wait3A_263 : memref<1x100000xf32, #tpu.memory_space<vmem>> -> memref<100000xf32, #tpu.memory_space<vmem>>
          %dma_wait3A_265 = arith.constant 0 : i32
          %dma_wait3A_266 = tpu.memref_slice %arg3[%add3A_248, %dma_wait3A_265] : memref<832x100000xf32, #tpu.memory_space<hbm>> -> memref<1x100000xf32, #tpu.memory_space<hbm>>
          %dma_wait3A_267 = tpu.memref_squeeze %dma_wait3A_266 : memref<1x100000xf32, #tpu.memory_space<hbm>> -> memref<100000xf32, #tpu.memory_space<hbm>>
          %dma_wait3A_268 = arith.constant 0 : i32
          %dma_wait3A_269 = tpu.memref_slice %arg7[%run_scoped3A, %dma_wait3A_268] : memref<1x100000xf32, #tpu.memory_space<vmem>> -> memref<1x100000xf32, #tpu.memory_space<vmem>>
          %dma_wait3A_270 = tpu.memref_squeeze %dma_wait3A_269 : memref<1x100000xf32, #tpu.memory_space<vmem>> -> memref<100000xf32, #tpu.memory_space<vmem>>
          %dma_wait3A_271 = arith.constant 0 : i32
          %dma_wait3A_272 = tpu.memref_slice %arg3[%add3A_248, %dma_wait3A_271] : memref<832x100000xf32, #tpu.memory_space<hbm>> -> memref<1x100000xf32, #tpu.memory_space<hbm>>
          %dma_wait3A_273 = tpu.memref_squeeze %dma_wait3A_272 : memref<1x100000xf32, #tpu.memory_space<hbm>> -> memref<100000xf32, #tpu.memory_space<hbm>>
          tpu.wait_dma2 semaphore(%run_scoped3A_249 : memref<!tpu.dma_semaphore, #tpu.memory_space<semaphore_mem>>) src(%dma_wait3A_273 : memref<100000xf32, #tpu.memory_space<hbm>>) dst(%dma_wait3A_270 : memref<100000xf32, #tpu.memory_space<vmem>>)
          tpu.yield
        }) : () -> ()
      } else {
      }
      %eq3A = arith.constant 26 : i32
      %eq3A_62 = arith.cmpi eq, %while3A_29, %eq3A : i32
      %convert_element_type3A_63 = arith.extui %eq3A_62 : i1 to i32
      %cond3A_64 = arith.constant 0 : i32
      %cond3A_65 = arith.cmpi ne, %convert_element_type3A_63, %cond3A_64 : i32
      scf.if %cond3A_65 {
        %run_scoped3A = arith.constant 0 : i32
        "tpu.region"() ({
          %run_scoped3A_246 = tpu.sem_alloc : memref<!tpu.dma_semaphore, #tpu.memory_space<semaphore_mem>>
          %dma_start3A_247 = arith.constant 0 : i32
          %dma_start3A_248 = tpu.memref_slice %arg7[%run_scoped3A, %dma_start3A_247] : memref<1x100000xf32, #tpu.memory_space<vmem>> -> memref<1x100000xf32, #tpu.memory_space<vmem>>
          %dma_start3A_249 = tpu.memref_squeeze %dma_start3A_248 : memref<1x100000xf32, #tpu.memory_space<vmem>> -> memref<100000xf32, #tpu.memory_space<vmem>>
          %dma_start3A_250 = arith.constant 0 : i32
          %dma_start3A_251 = tpu.memref_slice %arg4[%add3A, %dma_start3A_250] : memref<26x100000xf32, #tpu.memory_space<hbm>> -> memref<1x100000xf32, #tpu.memory_space<hbm>>
          %dma_start3A_252 = tpu.memref_squeeze %dma_start3A_251 : memref<1x100000xf32, #tpu.memory_space<hbm>> -> memref<100000xf32, #tpu.memory_space<hbm>>
          %dma_start3A_253 = arith.constant 0 : i32
          %dma_start3A_254 = tpu.memref_slice %arg7[%run_scoped3A, %dma_start3A_253] : memref<1x100000xf32, #tpu.memory_space<vmem>> -> memref<1x100000xf32, #tpu.memory_space<vmem>>
          %dma_start3A_255 = tpu.memref_squeeze %dma_start3A_254 : memref<1x100000xf32, #tpu.memory_space<vmem>> -> memref<100000xf32, #tpu.memory_space<vmem>>
          %dma_start3A_256 = arith.constant 0 : i32
          %dma_start3A_257 = tpu.memref_slice %arg4[%add3A, %dma_start3A_256] : memref<26x100000xf32, #tpu.memory_space<hbm>> -> memref<1x100000xf32, #tpu.memory_space<hbm>>
          %dma_start3A_258 = tpu.memref_squeeze %dma_start3A_257 : memref<1x100000xf32, #tpu.memory_space<hbm>> -> memref<100000xf32, #tpu.memory_space<hbm>>
          tpu.enqueue_dma source(%dma_start3A_258 : memref<100000xf32, #tpu.memory_space<hbm>>) target(%dma_start3A_255 : memref<100000xf32, #tpu.memory_space<vmem>>) target_semaphore(%run_scoped3A_246 : memref<!tpu.dma_semaphore, #tpu.memory_space<semaphore_mem>>)
          %dma_wait3A_259 = arith.constant 0 : i32
          %dma_wait3A_260 = tpu.memref_slice %arg7[%run_scoped3A, %dma_wait3A_259] : memref<1x100000xf32, #tpu.memory_space<vmem>> -> memref<1x100000xf32, #tpu.memory_space<vmem>>
          %dma_wait3A_261 = tpu.memref_squeeze %dma_wait3A_260 : memref<1x100000xf32, #tpu.memory_space<vmem>> -> memref<100000xf32, #tpu.memory_space<vmem>>
          %dma_wait3A_262 = arith.constant 0 : i32
          %dma_wait3A_263 = tpu.memref_slice %arg4[%add3A, %dma_wait3A_262] : memref<26x100000xf32, #tpu.memory_space<hbm>> -> memref<1x100000xf32, #tpu.memory_space<hbm>>
          %dma_wait3A_264 = tpu.memref_squeeze %dma_wait3A_263 : memref<1x100000xf32, #tpu.memory_space<hbm>> -> memref<100000xf32, #tpu.memory_space<hbm>>
          %dma_wait3A_265 = arith.constant 0 : i32
          %dma_wait3A_266 = tpu.memref_slice %arg7[%run_scoped3A, %dma_wait3A_265] : memref<1x100000xf32, #tpu.memory_space<vmem>> -> memref<1x100000xf32, #tpu.memory_space<vmem>>
          %dma_wait3A_267 = tpu.memref_squeeze %dma_wait3A_266 : memref<1x100000xf32, #tpu.memory_space<vmem>> -> memref<100000xf32, #tpu.memory_space<vmem>>
          %dma_wait3A_268 = arith.constant 0 : i32
          %dma_wait3A_269 = tpu.memref_slice %arg4[%add3A, %dma_wait3A_268] : memref<26x100000xf32, #tpu.memory_space<hbm>> -> memref<1x100000xf32, #tpu.memory_space<hbm>>
          %dma_wait3A_270 = tpu.memref_squeeze %dma_wait3A_269 : memref<1x100000xf32, #tpu.memory_space<hbm>> -> memref<100000xf32, #tpu.memory_space<hbm>>
          tpu.wait_dma2 semaphore(%run_scoped3A_246 : memref<!tpu.dma_semaphore, #tpu.memory_space<semaphore_mem>>) src(%dma_wait3A_270 : memref<100000xf32, #tpu.memory_space<hbm>>) dst(%dma_wait3A_267 : memref<100000xf32, #tpu.memory_space<vmem>>)
          tpu.yield
        }) : () -> ()
      } else {
      }
      %dma_wait3A_66 = arith.constant 0 : i32
      %dma_wait3A_67 = arith.constant 0 : i32
      %dma_wait3A_68 = arith.constant 0 : i32
      %dma_wait3A_69 = tpu.memref_slice %arg8[%dma_wait3A_67, %dma_wait3A_68] : memref<2x4096xi32, #tpu.memory_space<vmem>> -> memref<1x4096xi32, #tpu.memory_space<vmem>>
      %dma_wait3A_70 = tpu.memref_squeeze %dma_wait3A_69 : memref<1x4096xi32, #tpu.memory_space<vmem>> -> memref<4096xi32, #tpu.memory_space<vmem>>
      %dma_wait3A_71 = arith.constant 0 : i32
      %dma_wait3A_72 = tpu.memref_slice %arg2[%dma_wait3A_66, %dma_wait3A_71] : memref<26x16384xi32, #tpu.memory_space<hbm>> -> memref<1x4096xi32, #tpu.memory_space<hbm>>
      %dma_wait3A_73 = tpu.memref_squeeze %dma_wait3A_72 : memref<1x4096xi32, #tpu.memory_space<hbm>> -> memref<4096xi32, #tpu.memory_space<hbm>>
      %dma_wait3A_74 = arith.constant 0 : i32
      %dma_wait3A_75 = tpu.memref_slice %arg8[%dma_wait3A_67, %dma_wait3A_74] : memref<2x4096xi32, #tpu.memory_space<vmem>> -> memref<1x4096xi32, #tpu.memory_space<vmem>>
      %dma_wait3A_76 = tpu.memref_squeeze %dma_wait3A_75 : memref<1x4096xi32, #tpu.memory_space<vmem>> -> memref<4096xi32, #tpu.memory_space<vmem>>
      %dma_wait3A_77 = arith.constant 0 : i32
      %dma_wait3A_78 = tpu.memref_slice %arg2[%dma_wait3A_66, %dma_wait3A_77] : memref<26x16384xi32, #tpu.memory_space<hbm>> -> memref<1x4096xi32, #tpu.memory_space<hbm>>
      %dma_wait3A_79 = tpu.memref_squeeze %dma_wait3A_78 : memref<1x4096xi32, #tpu.memory_space<hbm>> -> memref<4096xi32, #tpu.memory_space<hbm>>
      tpu.wait_dma2 semaphore(%arg10 : memref<!tpu.dma_semaphore, #tpu.memory_space<semaphore_mem>>) src(%dma_wait3A_79 : memref<4096xi32, #tpu.memory_space<hbm>>) dst(%dma_wait3A_76 : memref<4096xi32, #tpu.memory_space<vmem>>)
      %parallel_loop3A = arith.constant 0 : i32
      %parallel_loop3A_80 = arith.constant 4096 : i32
      %parallel_loop3A_81 = arith.constant 16 : i32
      scf.for %parallel_loop3A_246 = %parallel_loop3A to %parallel_loop3A_80 step %parallel_loop3A_81  : i32 {
        %parallel_loop3A_247 = arith.constant 0 : i32
        %parallel_loop3A_248 = arith.index_cast %parallel_loop3A_247 : i32 to index
        %parallel_loop3A_249 = arith.index_cast %parallel_loop3A_246 : i32 to index
        %parallel_loop3A_250 = tpu.vector_load %arg8[%parallel_loop3A_248, %parallel_loop3A_249] {strides = array<i32>} : memref<2x4096xi32, #tpu.memory_space<vmem>>, vector<16xi32>,
        %parallel_loop3A_251 = arith.constant 0 : i32
        %parallel_loop3A_252 = arith.constant 0 : i32
        %parallel_loop3A_253 = tpu.memref_slice %arg7[%parallel_loop3A_251, %parallel_loop3A_252] : memref<1x100000xf32, #tpu.memory_space<vmem>> -> memref<1x100000xf32, #tpu.memory_space<vmem>>
        %parallel_loop3A_254 = tpu.memref_squeeze %parallel_loop3A_253 : memref<1x100000xf32, #tpu.memory_space<vmem>> -> memref<100000xf32, #tpu.memory_space<vmem>>
        %parallel_loop3A_255 = tpu.vector_load_idx %parallel_loop3A_254[%parallel_loop3A_250] : memref<100000xf32, #tpu.memory_space<vmem>>[vector<16xi32>], vector<16xf32>,
        %parallel_loop3A_256 = arith.constant 0 : i32
        %parallel_loop3A_257 = arith.index_cast %parallel_loop3A_256 : i32 to index
        %parallel_loop3A_258 = arith.index_cast %parallel_loop3A_246 : i32 to index
        %parallel_loop3A_259 = tpu.vector_load %arg9[%parallel_loop3A_257, %parallel_loop3A_258] {strides = array<i32>} : memref<2x4096xf32, #tpu.memory_space<vmem>>, vector<16xf32>,
        tpu.vector_store %arg9[%parallel_loop3A_257, %parallel_loop3A_258], %parallel_loop3A_255 {strides = array<i32>} : memref<2x4096xf32, #tpu.memory_space<vmem>>, vector<16xf32>,
      } {sc.loop_unroll_factor = 8 : i64, sc.parallel_access}
      %dma_start3A_82 = arith.constant 0 : i32
      %dma_start3A_83 = arith.constant 0 : i32
      %dma_start3A_84 = tpu.memref_slice %arg8[%dma_start3A_82, %dma_start3A_83] : memref<2x4096xi32, #tpu.memory_space<vmem>> -> memref<1x4096xi32, #tpu.memory_space<vmem>>
      %dma_start3A_85 = tpu.memref_squeeze %dma_start3A_84 : memref<1x4096xi32, #tpu.memory_space<vmem>> -> memref<4096xi32, #tpu.memory_space<vmem>>
      %dma_start3A_86 = arith.constant 8192 : i32
      %dma_start3A_87 = tpu.memref_slice %arg2[%select_n3A_33, %dma_start3A_86] : memref<26x16384xi32, #tpu.memory_space<hbm>> -> memref<1x4096xi32, #tpu.memory_space<hbm>>
      %dma_start3A_88 = tpu.memref_squeeze %dma_start3A_87 : memref<1x4096xi32, #tpu.memory_space<hbm>> -> memref<4096xi32, #tpu.memory_space<hbm>>
      %dma_start3A_89 = arith.constant 0 : i32
      %dma_start3A_90 = tpu.memref_slice %arg8[%dma_start3A_82, %dma_start3A_89] : memref<2x4096xi32, #tpu.memory_space<vmem>> -> memref<1x4096xi32, #tpu.memory_space<vmem>>
      %dma_start3A_91 = tpu.memref_squeeze %dma_start3A_90 : memref<1x4096xi32, #tpu.memory_space<vmem>> -> memref<4096xi32, #tpu.memory_space<vmem>>
      %dma_start3A_92 = arith.constant 8192 : i32
      %dma_start3A_93 = tpu.memref_slice %arg2[%select_n3A_33, %dma_start3A_92] : memref<26x16384xi32, #tpu.memory_space<hbm>> -> memref<1x4096xi32, #tpu.memory_space<hbm>>
      %dma_start3A_94 = tpu.memref_squeeze %dma_start3A_93 : memref<1x4096xi32, #tpu.memory_space<hbm>> -> memref<4096xi32, #tpu.memory_space<hbm>>
      tpu.enqueue_dma source(%dma_start3A_94 : memref<4096xi32, #tpu.memory_space<hbm>>) target(%dma_start3A_91 : memref<4096xi32, #tpu.memory_space<vmem>>) target_semaphore(%arg10 : memref<!tpu.dma_semaphore, #tpu.memory_space<semaphore_mem>>)
      %ne3A = arith.constant 0 : i32
      %ne3A_95 = arith.cmpi ne, %while3A_29, %ne3A : i32
      %convert_element_type3A_96 = arith.extui %ne3A_95 : i1 to i32
      %cond3A_97 = arith.constant 0 : i32
      %cond3A_98 = arith.cmpi ne, %convert_element_type3A_96, %cond3A_97 : i32
      scf.if %cond3A_98 {
        %dma_wait3A_246 = arith.constant 0 : i32
        %dma_wait3A_247 = arith.constant 0 : i32
        %dma_wait3A_248 = arith.constant 0 : i32
        %dma_wait3A_249 = tpu.memref_slice %arg9[%dma_wait3A_246, %dma_wait3A_248] : memref<2x4096xf32, #tpu.memory_space<vmem>> -> memref<1x4096xf32, #tpu.memory_space<vmem>>
        %dma_wait3A_250 = tpu.memref_squeeze %dma_wait3A_249 : memref<1x4096xf32, #tpu.memory_space<vmem>> -> memref<4096xf32, #tpu.memory_space<vmem>>
        %dma_wait3A_251 = arith.constant 0 : i32
        %dma_wait3A_252 = tpu.memref_slice %arg6[%dma_wait3A_247, %dma_wait3A_251] : memref<832x16384xf32, #tpu.memory_space<hbm>> -> memref<1x4096xf32, #tpu.memory_space<hbm>>
        %dma_wait3A_253 = tpu.memref_squeeze %dma_wait3A_252 : memref<1x4096xf32, #tpu.memory_space<hbm>> -> memref<4096xf32, #tpu.memory_space<hbm>>
        %dma_wait3A_254 = arith.constant 0 : i32
        %dma_wait3A_255 = tpu.memref_slice %arg6[%dma_wait3A_247, %dma_wait3A_254] : memref<832x16384xf32, #tpu.memory_space<hbm>> -> memref<1x4096xf32, #tpu.memory_space<hbm>>
        %dma_wait3A_256 = tpu.memref_squeeze %dma_wait3A_255 : memref<1x4096xf32, #tpu.memory_space<hbm>> -> memref<4096xf32, #tpu.memory_space<hbm>>
        %dma_wait3A_257 = arith.constant 0 : i32
        %dma_wait3A_258 = tpu.memref_slice %arg9[%dma_wait3A_246, %dma_wait3A_257] : memref<2x4096xf32, #tpu.memory_space<vmem>> -> memref<1x4096xf32, #tpu.memory_space<vmem>>
        %dma_wait3A_259 = tpu.memref_squeeze %dma_wait3A_258 : memref<1x4096xf32, #tpu.memory_space<vmem>> -> memref<4096xf32, #tpu.memory_space<vmem>>
        tpu.wait_dma2 semaphore(%arg12 : memref<!tpu.dma_semaphore, #tpu.memory_space<semaphore_mem>>) src(%dma_wait3A_259 : memref<4096xf32, #tpu.memory_space<vmem>>) dst(%dma_wait3A_256 : memref<4096xf32, #tpu.memory_space<hbm>>)
      } else {
      }
      %lt3A_99 = arith.constant 26 : i32
      %lt3A_100 = arith.cmpi slt, %while3A_29, %lt3A_99 : i32
      %convert_element_type3A_101 = arith.extui %lt3A_100 : i1 to i32
      %cond3A_102 = arith.constant 0 : i32
      %cond3A_103 = arith.cmpi ne, %convert_element_type3A_101, %cond3A_102 : i32
      scf.if %cond3A_103 {
        %mul3A_246 = arith.constant 32 : i32
        %mul3A_247 = arith.muli %while3A_29, %mul3A_246 : i32
        %add3A_248 = arith.addi %mul3A_247, %add3A : i32
        %dma_start3A_249 = arith.constant 0 : i32
        %dma_start3A_250 = arith.constant 0 : i32
        %dma_start3A_251 = tpu.memref_slice %arg9[%dma_start3A_249, %dma_start3A_250] : memref<2x4096xf32, #tpu.memory_space<vmem>> -> memref<1x4096xf32, #tpu.memory_space<vmem>>
        %dma_start3A_252 = tpu.memref_squeeze %dma_start3A_251 : memref<1x4096xf32, #tpu.memory_space<vmem>> -> memref<4096xf32, #tpu.memory_space<vmem>>
        %dma_start3A_253 = arith.constant 0 : i32
        %dma_start3A_254 = tpu.memref_slice %arg6[%add3A_248, %dma_start3A_253] : memref<832x16384xf32, #tpu.memory_space<hbm>> -> memref<1x4096xf32, #tpu.memory_space<hbm>>
        %dma_start3A_255 = tpu.memref_squeeze %dma_start3A_254 : memref<1x4096xf32, #tpu.memory_space<hbm>> -> memref<4096xf32, #tpu.memory_space<hbm>>
        %dma_start3A_256 = arith.constant 0 : i32
        %dma_start3A_257 = tpu.memref_slice %arg6[%add3A_248, %dma_start3A_256] : memref<832x16384xf32, #tpu.memory_space<hbm>> -> memref<1x4096xf32, #tpu.memory_space<hbm>>
        %dma_start3A_258 = tpu.memref_squeeze %dma_start3A_257 : memref<1x4096xf32, #tpu.memory_space<hbm>> -> memref<4096xf32, #tpu.memory_space<hbm>>
        %dma_start3A_259 = arith.constant 0 : i32
        %dma_start3A_260 = tpu.memref_slice %arg9[%dma_start3A_249, %dma_start3A_259] : memref<2x4096xf32, #tpu.memory_space<vmem>> -> memref<1x4096xf32, #tpu.memory_space<vmem>>
        %dma_start3A_261 = tpu.memref_squeeze %dma_start3A_260 : memref<1x4096xf32, #tpu.memory_space<vmem>> -> memref<4096xf32, #tpu.memory_space<vmem>>
        tpu.enqueue_dma source(%dma_start3A_261 : memref<4096xf32, #tpu.memory_space<vmem>>) target(%dma_start3A_258 : memref<4096xf32, #tpu.memory_space<hbm>>) target_semaphore(%arg12 : memref<!tpu.dma_semaphore, #tpu.memory_space<semaphore_mem>>)
      } else {
      }
      %eq3A_104 = arith.constant 26 : i32
      %eq3A_105 = arith.cmpi eq, %while3A_29, %eq3A_104 : i32
      %convert_element_type3A_106 = arith.extui %eq3A_105 : i1 to i32
      %cond3A_107 = arith.constant 0 : i32
      %cond3A_108 = arith.cmpi ne, %convert_element_type3A_106, %cond3A_107 : i32
      scf.if %cond3A_108 {
        %dma_start3A_246 = arith.constant 0 : i32
        %dma_start3A_247 = arith.constant 0 : i32
        %dma_start3A_248 = tpu.memref_slice %arg9[%dma_start3A_246, %dma_start3A_247] : memref<2x4096xf32, #tpu.memory_space<vmem>> -> memref<1x4096xf32, #tpu.memory_space<vmem>>
        %dma_start3A_249 = tpu.memref_squeeze %dma_start3A_248 : memref<1x4096xf32, #tpu.memory_space<vmem>> -> memref<4096xf32, #tpu.memory_space<vmem>>
        %dma_start3A_250 = arith.constant 0 : i32
        %dma_start3A_251 = tpu.memref_slice %arg5[%add3A, %dma_start3A_250] : memref<26x16384xf32, #tpu.memory_space<hbm>> -> memref<1x4096xf32, #tpu.memory_space<hbm>>
        %dma_start3A_252 = tpu.memref_squeeze %dma_start3A_251 : memref<1x4096xf32, #tpu.memory_space<hbm>> -> memref<4096xf32, #tpu.memory_space<hbm>>
        %dma_start3A_253 = arith.constant 0 : i32
        %dma_start3A_254 = tpu.memref_slice %arg5[%add3A, %dma_start3A_253] : memref<26x16384xf32, #tpu.memory_space<hbm>> -> memref<1x4096xf32, #tpu.memory_space<hbm>>
        %dma_start3A_255 = tpu.memref_squeeze %dma_start3A_254 : memref<1x4096xf32, #tpu.memory_space<hbm>> -> memref<4096xf32, #tpu.memory_space<hbm>>
        %dma_start3A_256 = arith.constant 0 : i32
        %dma_start3A_257 = tpu.memref_slice %arg9[%dma_start3A_246, %dma_start3A_256] : memref<2x4096xf32, #tpu.memory_space<vmem>> -> memref<1x4096xf32, #tpu.memory_space<vmem>>
        %dma_start3A_258 = tpu.memref_squeeze %dma_start3A_257 : memref<1x4096xf32, #tpu.memory_space<vmem>> -> memref<4096xf32, #tpu.memory_space<vmem>>
        tpu.enqueue_dma source(%dma_start3A_258 : memref<4096xf32, #tpu.memory_space<vmem>>) target(%dma_start3A_255 : memref<4096xf32, #tpu.memory_space<hbm>>) target_semaphore(%arg12 : memref<!tpu.dma_semaphore, #tpu.memory_space<semaphore_mem>>)
      } else {
      }
      %dma_wait3A_109 = arith.constant 0 : i32
      %dma_wait3A_110 = arith.constant 1 : i32
      %dma_wait3A_111 = arith.constant 0 : i32
      %dma_wait3A_112 = tpu.memref_slice %arg8[%dma_wait3A_110, %dma_wait3A_111] : memref<2x4096xi32, #tpu.memory_space<vmem>> -> memref<1x4096xi32, #tpu.memory_space<vmem>>
      %dma_wait3A_113 = tpu.memref_squeeze %dma_wait3A_112 : memref<1x4096xi32, #tpu.memory_space<vmem>> -> memref<4096xi32, #tpu.memory_space<vmem>>
      %dma_wait3A_114 = arith.constant 0 : i32
      %dma_wait3A_115 = tpu.memref_slice %arg2[%dma_wait3A_109, %dma_wait3A_114] : memref<26x16384xi32, #tpu.memory_space<hbm>> -> memref<1x4096xi32, #tpu.memory_space<hbm>>
      %dma_wait3A_116 = tpu.memref_squeeze %dma_wait3A_115 : memref<1x4096xi32, #tpu.memory_space<hbm>> -> memref<4096xi32, #tpu.memory_space<hbm>>
      %dma_wait3A_117 = arith.constant 0 : i32
      %dma_wait3A_118 = tpu.memref_slice %arg8[%dma_wait3A_110, %dma_wait3A_117] : memref<2x4096xi32, #tpu.memory_space<vmem>> -> memref<1x4096xi32, #tpu.memory_space<vmem>>
      %dma_wait3A_119 = tpu.memref_squeeze %dma_wait3A_118 : memref<1x4096xi32, #tpu.memory_space<vmem>> -> memref<4096xi32, #tpu.memory_space<vmem>>
      %dma_wait3A_120 = arith.constant 0 : i32
      %dma_wait3A_121 = tpu.memref_slice %arg2[%dma_wait3A_109, %dma_wait3A_120] : memref<26x16384xi32, #tpu.memory_space<hbm>> -> memref<1x4096xi32, #tpu.memory_space<hbm>>
      %dma_wait3A_122 = tpu.memref_squeeze %dma_wait3A_121 : memref<1x4096xi32, #tpu.memory_space<hbm>> -> memref<4096xi32, #tpu.memory_space<hbm>>
      tpu.wait_dma2 semaphore(%arg11 : memref<!tpu.dma_semaphore, #tpu.memory_space<semaphore_mem>>) src(%dma_wait3A_122 : memref<4096xi32, #tpu.memory_space<hbm>>) dst(%dma_wait3A_119 : memref<4096xi32, #tpu.memory_space<vmem>>)
      %parallel_loop3A_123 = arith.constant 0 : i32
      %parallel_loop3A_124 = arith.constant 4096 : i32
      %parallel_loop3A_125 = arith.constant 16 : i32
      scf.for %parallel_loop3A_246 = %parallel_loop3A_123 to %parallel_loop3A_124 step %parallel_loop3A_125  : i32 {
        %parallel_loop3A_247 = arith.constant 1 : i32
        %parallel_loop3A_248 = arith.index_cast %parallel_loop3A_247 : i32 to index
        %parallel_loop3A_249 = arith.index_cast %parallel_loop3A_246 : i32 to index
        %parallel_loop3A_250 = tpu.vector_load %arg8[%parallel_loop3A_248, %parallel_loop3A_249] {strides = array<i32>} : memref<2x4096xi32, #tpu.memory_space<vmem>>, vector<16xi32>,
        %parallel_loop3A_251 = arith.constant 0 : i32
        %parallel_loop3A_252 = arith.constant 0 : i32
        %parallel_loop3A_253 = tpu.memref_slice %arg7[%parallel_loop3A_251, %parallel_loop3A_252] : memref<1x100000xf32, #tpu.memory_space<vmem>> -> memref<1x100000xf32, #tpu.memory_space<vmem>>
        %parallel_loop3A_254 = tpu.memref_squeeze %parallel_loop3A_253 : memref<1x100000xf32, #tpu.memory_space<vmem>> -> memref<100000xf32, #tpu.memory_space<vmem>>
        %parallel_loop3A_255 = tpu.vector_load_idx %parallel_loop3A_254[%parallel_loop3A_250] : memref<100000xf32, #tpu.memory_space<vmem>>[vector<16xi32>], vector<16xf32>,
        %parallel_loop3A_256 = arith.constant 1 : i32
        %parallel_loop3A_257 = arith.index_cast %parallel_loop3A_256 : i32 to index
        %parallel_loop3A_258 = arith.index_cast %parallel_loop3A_246 : i32 to index
        %parallel_loop3A_259 = tpu.vector_load %arg9[%parallel_loop3A_257, %parallel_loop3A_258] {strides = array<i32>} : memref<2x4096xf32, #tpu.memory_space<vmem>>, vector<16xf32>,
        tpu.vector_store %arg9[%parallel_loop3A_257, %parallel_loop3A_258], %parallel_loop3A_255 {strides = array<i32>} : memref<2x4096xf32, #tpu.memory_space<vmem>>, vector<16xf32>,
      } {sc.loop_unroll_factor = 8 : i64, sc.parallel_access}
      %dma_start3A_126 = arith.constant 1 : i32
      %dma_start3A_127 = arith.constant 0 : i32
      %dma_start3A_128 = tpu.memref_slice %arg8[%dma_start3A_126, %dma_start3A_127] : memref<2x4096xi32, #tpu.memory_space<vmem>> -> memref<1x4096xi32, #tpu.memory_space<vmem>>
      %dma_start3A_129 = tpu.memref_squeeze %dma_start3A_128 : memref<1x4096xi32, #tpu.memory_space<vmem>> -> memref<4096xi32, #tpu.memory_space<vmem>>
      %dma_start3A_130 = arith.constant 12288 : i32
      %dma_start3A_131 = tpu.memref_slice %arg2[%select_n3A_33, %dma_start3A_130] : memref<26x16384xi32, #tpu.memory_space<hbm>> -> memref<1x4096xi32, #tpu.memory_space<hbm>>
      %dma_start3A_132 = tpu.memref_squeeze %dma_start3A_131 : memref<1x4096xi32, #tpu.memory_space<hbm>> -> memref<4096xi32, #tpu.memory_space<hbm>>
      %dma_start3A_133 = arith.constant 0 : i32
      %dma_start3A_134 = tpu.memref_slice %arg8[%dma_start3A_126, %dma_start3A_133] : memref<2x4096xi32, #tpu.memory_space<vmem>> -> memref<1x4096xi32, #tpu.memory_space<vmem>>
      %dma_start3A_135 = tpu.memref_squeeze %dma_start3A_134 : memref<1x4096xi32, #tpu.memory_space<vmem>> -> memref<4096xi32, #tpu.memory_space<vmem>>
      %dma_start3A_136 = arith.constant 12288 : i32
      %dma_start3A_137 = tpu.memref_slice %arg2[%select_n3A_33, %dma_start3A_136] : memref<26x16384xi32, #tpu.memory_space<hbm>> -> memref<1x4096xi32, #tpu.memory_space<hbm>>
      %dma_start3A_138 = tpu.memref_squeeze %dma_start3A_137 : memref<1x4096xi32, #tpu.memory_space<hbm>> -> memref<4096xi32, #tpu.memory_space<hbm>>
      tpu.enqueue_dma source(%dma_start3A_138 : memref<4096xi32, #tpu.memory_space<hbm>>) target(%dma_start3A_135 : memref<4096xi32, #tpu.memory_space<vmem>>) target_semaphore(%arg11 : memref<!tpu.dma_semaphore, #tpu.memory_space<semaphore_mem>>)
      %dma_wait3A_139 = arith.constant 0 : i32
      %dma_wait3A_140 = arith.constant 0 : i32
      %dma_wait3A_141 = arith.constant 0 : i32
      %dma_wait3A_142 = tpu.memref_slice %arg9[%dma_wait3A_139, %dma_wait3A_141] : memref<2x4096xf32, #tpu.memory_space<vmem>> -> memref<1x4096xf32, #tpu.memory_space<vmem>>
      %dma_wait3A_143 = tpu.memref_squeeze %dma_wait3A_142 : memref<1x4096xf32, #tpu.memory_space<vmem>> -> memref<4096xf32, #tpu.memory_space<vmem>>
      %dma_wait3A_144 = arith.constant 0 : i32
      %dma_wait3A_145 = tpu.memref_slice %arg6[%dma_wait3A_140, %dma_wait3A_144] : memref<832x16384xf32, #tpu.memory_space<hbm>> -> memref<1x4096xf32, #tpu.memory_space<hbm>>
      %dma_wait3A_146 = tpu.memref_squeeze %dma_wait3A_145 : memref<1x4096xf32, #tpu.memory_space<hbm>> -> memref<4096xf32, #tpu.memory_space<hbm>>
      %dma_wait3A_147 = arith.constant 0 : i32
      %dma_wait3A_148 = tpu.memref_slice %arg6[%dma_wait3A_140, %dma_wait3A_147] : memref<832x16384xf32, #tpu.memory_space<hbm>> -> memref<1x4096xf32, #tpu.memory_space<hbm>>
      %dma_wait3A_149 = tpu.memref_squeeze %dma_wait3A_148 : memref<1x4096xf32, #tpu.memory_space<hbm>> -> memref<4096xf32, #tpu.memory_space<hbm>>
      %dma_wait3A_150 = arith.constant 0 : i32
      %dma_wait3A_151 = tpu.memref_slice %arg9[%dma_wait3A_139, %dma_wait3A_150] : memref<2x4096xf32, #tpu.memory_space<vmem>> -> memref<1x4096xf32, #tpu.memory_space<vmem>>
      %dma_wait3A_152 = tpu.memref_squeeze %dma_wait3A_151 : memref<1x4096xf32, #tpu.memory_space<vmem>> -> memref<4096xf32, #tpu.memory_space<vmem>>
      tpu.wait_dma2 semaphore(%arg12 : memref<!tpu.dma_semaphore, #tpu.memory_space<semaphore_mem>>) src(%dma_wait3A_152 : memref<4096xf32, #tpu.memory_space<vmem>>) dst(%dma_wait3A_149 : memref<4096xf32, #tpu.memory_space<hbm>>)
      %lt3A_153 = arith.constant 26 : i32
      %lt3A_154 = arith.cmpi slt, %while3A_29, %lt3A_153 : i32
      %convert_element_type3A_155 = arith.extui %lt3A_154 : i1 to i32
      %cond3A_156 = arith.constant 0 : i32
      %cond3A_157 = arith.cmpi ne, %convert_element_type3A_155, %cond3A_156 : i32
      scf.if %cond3A_157 {
        %mul3A_246 = arith.constant 32 : i32
        %mul3A_247 = arith.muli %while3A_29, %mul3A_246 : i32
        %add3A_248 = arith.addi %mul3A_247, %add3A : i32
        %dma_start3A_249 = arith.constant 1 : i32
        %dma_start3A_250 = arith.constant 0 : i32
        %dma_start3A_251 = tpu.memref_slice %arg9[%dma_start3A_249, %dma_start3A_250] : memref<2x4096xf32, #tpu.memory_space<vmem>> -> memref<1x4096xf32, #tpu.memory_space<vmem>>
        %dma_start3A_252 = tpu.memref_squeeze %dma_start3A_251 : memref<1x4096xf32, #tpu.memory_space<vmem>> -> memref<4096xf32, #tpu.memory_space<vmem>>
        %dma_start3A_253 = arith.constant 4096 : i32
        %dma_start3A_254 = tpu.memref_slice %arg6[%add3A_248, %dma_start3A_253] : memref<832x16384xf32, #tpu.memory_space<hbm>> -> memref<1x4096xf32, #tpu.memory_space<hbm>>
        %dma_start3A_255 = tpu.memref_squeeze %dma_start3A_254 : memref<1x4096xf32, #tpu.memory_space<hbm>> -> memref<4096xf32, #tpu.memory_space<hbm>>
        %dma_start3A_256 = arith.constant 4096 : i32
        %dma_start3A_257 = tpu.memref_slice %arg6[%add3A_248, %dma_start3A_256] : memref<832x16384xf32, #tpu.memory_space<hbm>> -> memref<1x4096xf32, #tpu.memory_space<hbm>>
        %dma_start3A_258 = tpu.memref_squeeze %dma_start3A_257 : memref<1x4096xf32, #tpu.memory_space<hbm>> -> memref<4096xf32, #tpu.memory_space<hbm>>
        %dma_start3A_259 = arith.constant 0 : i32
        %dma_start3A_260 = tpu.memref_slice %arg9[%dma_start3A_249, %dma_start3A_259] : memref<2x4096xf32, #tpu.memory_space<vmem>> -> memref<1x4096xf32, #tpu.memory_space<vmem>>
        %dma_start3A_261 = tpu.memref_squeeze %dma_start3A_260 : memref<1x4096xf32, #tpu.memory_space<vmem>> -> memref<4096xf32, #tpu.memory_space<vmem>>
        tpu.enqueue_dma source(%dma_start3A_261 : memref<4096xf32, #tpu.memory_space<vmem>>) target(%dma_start3A_258 : memref<4096xf32, #tpu.memory_space<hbm>>) target_semaphore(%arg12 : memref<!tpu.dma_semaphore, #tpu.memory_space<semaphore_mem>>)
      } else {
      }
      %eq3A_158 = arith.constant 26 : i32
      %eq3A_159 = arith.cmpi eq, %while3A_29, %eq3A_158 : i32
      %convert_element_type3A_160 = arith.extui %eq3A_159 : i1 to i32
      %cond3A_161 = arith.constant 0 : i32
      %cond3A_162 = arith.cmpi ne, %convert_element_type3A_160, %cond3A_161 : i32
      scf.if %cond3A_162 {
        %dma_start3A_246 = arith.constant 1 : i32
        %dma_start3A_247 = arith.constant 0 : i32
        %dma_start3A_248 = tpu.memref_slice %arg9[%dma_start3A_246, %dma_start3A_247] : memref<2x4096xf32, #tpu.memory_space<vmem>> -> memref<1x4096xf32, #tpu.memory_space<vmem>>
        %dma_start3A_249 = tpu.memref_squeeze %dma_start3A_248 : memref<1x4096xf32, #tpu.memory_space<vmem>> -> memref<4096xf32, #tpu.memory_space<vmem>>
        %dma_start3A_250 = arith.constant 4096 : i32
        %dma_start3A_251 = tpu.memref_slice %arg5[%add3A, %dma_start3A_250] : memref<26x16384xf32, #tpu.memory_space<hbm>> -> memref<1x4096xf32, #tpu.memory_space<hbm>>
        %dma_start3A_252 = tpu.memref_squeeze %dma_start3A_251 : memref<1x4096xf32, #tpu.memory_space<hbm>> -> memref<4096xf32, #tpu.memory_space<hbm>>
        %dma_start3A_253 = arith.constant 4096 : i32
        %dma_start3A_254 = tpu.memref_slice %arg5[%add3A, %dma_start3A_253] : memref<26x16384xf32, #tpu.memory_space<hbm>> -> memref<1x4096xf32, #tpu.memory_space<hbm>>
        %dma_start3A_255 = tpu.memref_squeeze %dma_start3A_254 : memref<1x4096xf32, #tpu.memory_space<hbm>> -> memref<4096xf32, #tpu.memory_space<hbm>>
        %dma_start3A_256 = arith.constant 0 : i32
        %dma_start3A_257 = tpu.memref_slice %arg9[%dma_start3A_246, %dma_start3A_256] : memref<2x4096xf32, #tpu.memory_space<vmem>> -> memref<1x4096xf32, #tpu.memory_space<vmem>>
        %dma_start3A_258 = tpu.memref_squeeze %dma_start3A_257 : memref<1x4096xf32, #tpu.memory_space<vmem>> -> memref<4096xf32, #tpu.memory_space<vmem>>
        tpu.enqueue_dma source(%dma_start3A_258 : memref<4096xf32, #tpu.memory_space<vmem>>) target(%dma_start3A_255 : memref<4096xf32, #tpu.memory_space<hbm>>) target_semaphore(%arg12 : memref<!tpu.dma_semaphore, #tpu.memory_space<semaphore_mem>>)
      } else {
      }
      %dma_wait3A_163 = arith.constant 0 : i32
      %dma_wait3A_164 = arith.constant 0 : i32
      %dma_wait3A_165 = arith.constant 0 : i32
      %dma_wait3A_166 = tpu.memref_slice %arg8[%dma_wait3A_164, %dma_wait3A_165] : memref<2x4096xi32, #tpu.memory_space<vmem>> -> memref<1x4096xi32, #tpu.memory_space<vmem>>
      %dma_wait3A_167 = tpu.memref_squeeze %dma_wait3A_166 : memref<1x4096xi32, #tpu.memory_space<vmem>> -> memref<4096xi32, #tpu.memory_space<vmem>>
      %dma_wait3A_168 = arith.constant 0 : i32
      %dma_wait3A_169 = tpu.memref_slice %arg2[%dma_wait3A_163, %dma_wait3A_168] : memref<26x16384xi32, #tpu.memory_space<hbm>> -> memref<1x4096xi32, #tpu.memory_space<hbm>>
      %dma_wait3A_170 = tpu.memref_squeeze %dma_wait3A_169 : memref<1x4096xi32, #tpu.memory_space<hbm>> -> memref<4096xi32, #tpu.memory_space<hbm>>
      %dma_wait3A_171 = arith.constant 0 : i32
      %dma_wait3A_172 = tpu.memref_slice %arg8[%dma_wait3A_164, %dma_wait3A_171] : memref<2x4096xi32, #tpu.memory_space<vmem>> -> memref<1x4096xi32, #tpu.memory_space<vmem>>
      %dma_wait3A_173 = tpu.memref_squeeze %dma_wait3A_172 : memref<1x4096xi32, #tpu.memory_space<vmem>> -> memref<4096xi32, #tpu.memory_space<vmem>>
      %dma_wait3A_174 = arith.constant 0 : i32
      %dma_wait3A_175 = tpu.memref_slice %arg2[%dma_wait3A_163, %dma_wait3A_174] : memref<26x16384xi32, #tpu.memory_space<hbm>> -> memref<1x4096xi32, #tpu.memory_space<hbm>>
      %dma_wait3A_176 = tpu.memref_squeeze %dma_wait3A_175 : memref<1x4096xi32, #tpu.memory_space<hbm>> -> memref<4096xi32, #tpu.memory_space<hbm>>
      tpu.wait_dma2 semaphore(%arg10 : memref<!tpu.dma_semaphore, #tpu.memory_space<semaphore_mem>>) src(%dma_wait3A_176 : memref<4096xi32, #tpu.memory_space<hbm>>) dst(%dma_wait3A_173 : memref<4096xi32, #tpu.memory_space<vmem>>)
      %parallel_loop3A_177 = arith.constant 0 : i32
      %parallel_loop3A_178 = arith.constant 4096 : i32
      %parallel_loop3A_179 = arith.constant 16 : i32
      scf.for %parallel_loop3A_246 = %parallel_loop3A_177 to %parallel_loop3A_178 step %parallel_loop3A_179  : i32 {
        %parallel_loop3A_247 = arith.constant 0 : i32
        %parallel_loop3A_248 = arith.index_cast %parallel_loop3A_247 : i32 to index
        %parallel_loop3A_249 = arith.index_cast %parallel_loop3A_246 : i32 to index
        %parallel_loop3A_250 = tpu.vector_load %arg8[%parallel_loop3A_248, %parallel_loop3A_249] {strides = array<i32>} : memref<2x4096xi32, #tpu.memory_space<vmem>>, vector<16xi32>,
        %parallel_loop3A_251 = arith.constant 0 : i32
        %parallel_loop3A_252 = arith.constant 0 : i32
        %parallel_loop3A_253 = tpu.memref_slice %arg7[%parallel_loop3A_251, %parallel_loop3A_252] : memref<1x100000xf32, #tpu.memory_space<vmem>> -> memref<1x100000xf32, #tpu.memory_space<vmem>>
        %parallel_loop3A_254 = tpu.memref_squeeze %parallel_loop3A_253 : memref<1x100000xf32, #tpu.memory_space<vmem>> -> memref<100000xf32, #tpu.memory_space<vmem>>
        %parallel_loop3A_255 = tpu.vector_load_idx %parallel_loop3A_254[%parallel_loop3A_250] : memref<100000xf32, #tpu.memory_space<vmem>>[vector<16xi32>], vector<16xf32>,
        %parallel_loop3A_256 = arith.constant 0 : i32
        %parallel_loop3A_257 = arith.index_cast %parallel_loop3A_256 : i32 to index
        %parallel_loop3A_258 = arith.index_cast %parallel_loop3A_246 : i32 to index
        %parallel_loop3A_259 = tpu.vector_load %arg9[%parallel_loop3A_257, %parallel_loop3A_258] {strides = array<i32>} : memref<2x4096xf32, #tpu.memory_space<vmem>>, vector<16xf32>,
        tpu.vector_store %arg9[%parallel_loop3A_257, %parallel_loop3A_258], %parallel_loop3A_255 {strides = array<i32>} : memref<2x4096xf32, #tpu.memory_space<vmem>>, vector<16xf32>,
      } {sc.loop_unroll_factor = 8 : i64, sc.parallel_access}
      %dma_wait3A_180 = arith.constant 0 : i32
      %dma_wait3A_181 = arith.constant 0 : i32
      %dma_wait3A_182 = arith.constant 0 : i32
      %dma_wait3A_183 = tpu.memref_slice %arg9[%dma_wait3A_180, %dma_wait3A_182] : memref<2x4096xf32, #tpu.memory_space<vmem>> -> memref<1x4096xf32, #tpu.memory_space<vmem>>
      %dma_wait3A_184 = tpu.memref_squeeze %dma_wait3A_183 : memref<1x4096xf32, #tpu.memory_space<vmem>> -> memref<4096xf32, #tpu.memory_space<vmem>>
      %dma_wait3A_185 = arith.constant 0 : i32
      %dma_wait3A_186 = tpu.memref_slice %arg6[%dma_wait3A_181, %dma_wait3A_185] : memref<832x16384xf32, #tpu.memory_space<hbm>> -> memref<1x4096xf32, #tpu.memory_space<hbm>>
      %dma_wait3A_187 = tpu.memref_squeeze %dma_wait3A_186 : memref<1x4096xf32, #tpu.memory_space<hbm>> -> memref<4096xf32, #tpu.memory_space<hbm>>
      %dma_wait3A_188 = arith.constant 0 : i32
      %dma_wait3A_189 = tpu.memref_slice %arg6[%dma_wait3A_181, %dma_wait3A_188] : memref<832x16384xf32, #tpu.memory_space<hbm>> -> memref<1x4096xf32, #tpu.memory_space<hbm>>
      %dma_wait3A_190 = tpu.memref_squeeze %dma_wait3A_189 : memref<1x4096xf32, #tpu.memory_space<hbm>> -> memref<4096xf32, #tpu.memory_space<hbm>>
      %dma_wait3A_191 = arith.constant 0 : i32
      %dma_wait3A_192 = tpu.memref_slice %arg9[%dma_wait3A_180, %dma_wait3A_191] : memref<2x4096xf32, #tpu.memory_space<vmem>> -> memref<1x4096xf32, #tpu.memory_space<vmem>>
      %dma_wait3A_193 = tpu.memref_squeeze %dma_wait3A_192 : memref<1x4096xf32, #tpu.memory_space<vmem>> -> memref<4096xf32, #tpu.memory_space<vmem>>
      tpu.wait_dma2 semaphore(%arg12 : memref<!tpu.dma_semaphore, #tpu.memory_space<semaphore_mem>>) src(%dma_wait3A_193 : memref<4096xf32, #tpu.memory_space<vmem>>) dst(%dma_wait3A_190 : memref<4096xf32, #tpu.memory_space<hbm>>)
      %lt3A_194 = arith.constant 26 : i32
      %lt3A_195 = arith.cmpi slt, %while3A_29, %lt3A_194 : i32
      %convert_element_type3A_196 = arith.extui %lt3A_195 : i1 to i32
      %cond3A_197 = arith.constant 0 : i32
      %cond3A_198 = arith.cmpi ne, %convert_element_type3A_196, %cond3A_197 : i32
      scf.if %cond3A_198 {
        %mul3A_246 = arith.constant 32 : i32
        %mul3A_247 = arith.muli %while3A_29, %mul3A_246 : i32
        %add3A_248 = arith.addi %mul3A_247, %add3A : i32
        %dma_start3A_249 = arith.constant 0 : i32
        %dma_start3A_250 = arith.constant 0 : i32
        %dma_start3A_251 = tpu.memref_slice %arg9[%dma_start3A_249, %dma_start3A_250] : memref<2x4096xf32, #tpu.memory_space<vmem>> -> memref<1x4096xf32, #tpu.memory_space<vmem>>
        %dma_start3A_252 = tpu.memref_squeeze %dma_start3A_251 : memref<1x4096xf32, #tpu.memory_space<vmem>> -> memref<4096xf32, #tpu.memory_space<vmem>>
        %dma_start3A_253 = arith.constant 8192 : i32
        %dma_start3A_254 = tpu.memref_slice %arg6[%add3A_248, %dma_start3A_253] : memref<832x16384xf32, #tpu.memory_space<hbm>> -> memref<1x4096xf32, #tpu.memory_space<hbm>>
        %dma_start3A_255 = tpu.memref_squeeze %dma_start3A_254 : memref<1x4096xf32, #tpu.memory_space<hbm>> -> memref<4096xf32, #tpu.memory_space<hbm>>
        %dma_start3A_256 = arith.constant 8192 : i32
        %dma_start3A_257 = tpu.memref_slice %arg6[%add3A_248, %dma_start3A_256] : memref<832x16384xf32, #tpu.memory_space<hbm>> -> memref<1x4096xf32, #tpu.memory_space<hbm>>
        %dma_start3A_258 = tpu.memref_squeeze %dma_start3A_257 : memref<1x4096xf32, #tpu.memory_space<hbm>> -> memref<4096xf32, #tpu.memory_space<hbm>>
        %dma_start3A_259 = arith.constant 0 : i32
        %dma_start3A_260 = tpu.memref_slice %arg9[%dma_start3A_249, %dma_start3A_259] : memref<2x4096xf32, #tpu.memory_space<vmem>> -> memref<1x4096xf32, #tpu.memory_space<vmem>>
        %dma_start3A_261 = tpu.memref_squeeze %dma_start3A_260 : memref<1x4096xf32, #tpu.memory_space<vmem>> -> memref<4096xf32, #tpu.memory_space<vmem>>
        tpu.enqueue_dma source(%dma_start3A_261 : memref<4096xf32, #tpu.memory_space<vmem>>) target(%dma_start3A_258 : memref<4096xf32, #tpu.memory_space<hbm>>) target_semaphore(%arg12 : memref<!tpu.dma_semaphore, #tpu.memory_space<semaphore_mem>>)
      } else {
      }
      %eq3A_199 = arith.constant 26 : i32
      %eq3A_200 = arith.cmpi eq, %while3A_29, %eq3A_199 : i32
      %convert_element_type3A_201 = arith.extui %eq3A_200 : i1 to i32
      %cond3A_202 = arith.constant 0 : i32
      %cond3A_203 = arith.cmpi ne, %convert_element_type3A_201, %cond3A_202 : i32
      scf.if %cond3A_203 {
        %dma_start3A_246 = arith.constant 0 : i32
        %dma_start3A_247 = arith.constant 0 : i32
        %dma_start3A_248 = tpu.memref_slice %arg9[%dma_start3A_246, %dma_start3A_247] : memref<2x4096xf32, #tpu.memory_space<vmem>> -> memref<1x4096xf32, #tpu.memory_space<vmem>>
        %dma_start3A_249 = tpu.memref_squeeze %dma_start3A_248 : memref<1x4096xf32, #tpu.memory_space<vmem>> -> memref<4096xf32, #tpu.memory_space<vmem>>
        %dma_start3A_250 = arith.constant 8192 : i32
        %dma_start3A_251 = tpu.memref_slice %arg5[%add3A, %dma_start3A_250] : memref<26x16384xf32, #tpu.memory_space<hbm>> -> memref<1x4096xf32, #tpu.memory_space<hbm>>
        %dma_start3A_252 = tpu.memref_squeeze %dma_start3A_251 : memref<1x4096xf32, #tpu.memory_space<hbm>> -> memref<4096xf32, #tpu.memory_space<hbm>>
        %dma_start3A_253 = arith.constant 8192 : i32
        %dma_start3A_254 = tpu.memref_slice %arg5[%add3A, %dma_start3A_253] : memref<26x16384xf32, #tpu.memory_space<hbm>> -> memref<1x4096xf32, #tpu.memory_space<hbm>>
        %dma_start3A_255 = tpu.memref_squeeze %dma_start3A_254 : memref<1x4096xf32, #tpu.memory_space<hbm>> -> memref<4096xf32, #tpu.memory_space<hbm>>
        %dma_start3A_256 = arith.constant 0 : i32
        %dma_start3A_257 = tpu.memref_slice %arg9[%dma_start3A_246, %dma_start3A_256] : memref<2x4096xf32, #tpu.memory_space<vmem>> -> memref<1x4096xf32, #tpu.memory_space<vmem>>
        %dma_start3A_258 = tpu.memref_squeeze %dma_start3A_257 : memref<1x4096xf32, #tpu.memory_space<vmem>> -> memref<4096xf32, #tpu.memory_space<vmem>>
        tpu.enqueue_dma source(%dma_start3A_258 : memref<4096xf32, #tpu.memory_space<vmem>>) target(%dma_start3A_255 : memref<4096xf32, #tpu.memory_space<hbm>>) target_semaphore(%arg12 : memref<!tpu.dma_semaphore, #tpu.memory_space<semaphore_mem>>)
      } else {
      }
      %dma_wait3A_204 = arith.constant 0 : i32
      %dma_wait3A_205 = arith.constant 1 : i32
      %dma_wait3A_206 = arith.constant 0 : i32
      %dma_wait3A_207 = tpu.memref_slice %arg8[%dma_wait3A_205, %dma_wait3A_206] : memref<2x4096xi32, #tpu.memory_space<vmem>> -> memref<1x4096xi32, #tpu.memory_space<vmem>>
      %dma_wait3A_208 = tpu.memref_squeeze %dma_wait3A_207 : memref<1x4096xi32, #tpu.memory_space<vmem>> -> memref<4096xi32, #tpu.memory_space<vmem>>
      %dma_wait3A_209 = arith.constant 0 : i32
      %dma_wait3A_210 = tpu.memref_slice %arg2[%dma_wait3A_204, %dma_wait3A_209] : memref<26x16384xi32, #tpu.memory_space<hbm>> -> memref<1x4096xi32, #tpu.memory_space<hbm>>
      %dma_wait3A_211 = tpu.memref_squeeze %dma_wait3A_210 : memref<1x4096xi32, #tpu.memory_space<hbm>> -> memref<4096xi32, #tpu.memory_space<hbm>>
      %dma_wait3A_212 = arith.constant 0 : i32
      %dma_wait3A_213 = tpu.memref_slice %arg8[%dma_wait3A_205, %dma_wait3A_212] : memref<2x4096xi32, #tpu.memory_space<vmem>> -> memref<1x4096xi32, #tpu.memory_space<vmem>>
      %dma_wait3A_214 = tpu.memref_squeeze %dma_wait3A_213 : memref<1x4096xi32, #tpu.memory_space<vmem>> -> memref<4096xi32, #tpu.memory_space<vmem>>
      %dma_wait3A_215 = arith.constant 0 : i32
      %dma_wait3A_216 = tpu.memref_slice %arg2[%dma_wait3A_204, %dma_wait3A_215] : memref<26x16384xi32, #tpu.memory_space<hbm>> -> memref<1x4096xi32, #tpu.memory_space<hbm>>
      %dma_wait3A_217 = tpu.memref_squeeze %dma_wait3A_216 : memref<1x4096xi32, #tpu.memory_space<hbm>> -> memref<4096xi32, #tpu.memory_space<hbm>>
      tpu.wait_dma2 semaphore(%arg11 : memref<!tpu.dma_semaphore, #tpu.memory_space<semaphore_mem>>) src(%dma_wait3A_217 : memref<4096xi32, #tpu.memory_space<hbm>>) dst(%dma_wait3A_214 : memref<4096xi32, #tpu.memory_space<vmem>>)
      %parallel_loop3A_218 = arith.constant 0 : i32
      %parallel_loop3A_219 = arith.constant 4096 : i32
      %parallel_loop3A_220 = arith.constant 16 : i32
      scf.for %parallel_loop3A_246 = %parallel_loop3A_218 to %parallel_loop3A_219 step %parallel_loop3A_220  : i32 {
        %parallel_loop3A_247 = arith.constant 1 : i32
        %parallel_loop3A_248 = arith.index_cast %parallel_loop3A_247 : i32 to index
        %parallel_loop3A_249 = arith.index_cast %parallel_loop3A_246 : i32 to index
        %parallel_loop3A_250 = tpu.vector_load %arg8[%parallel_loop3A_248, %parallel_loop3A_249] {strides = array<i32>} : memref<2x4096xi32, #tpu.memory_space<vmem>>, vector<16xi32>,
        %parallel_loop3A_251 = arith.constant 0 : i32
        %parallel_loop3A_252 = arith.constant 0 : i32
        %parallel_loop3A_253 = tpu.memref_slice %arg7[%parallel_loop3A_251, %parallel_loop3A_252] : memref<1x100000xf32, #tpu.memory_space<vmem>> -> memref<1x100000xf32, #tpu.memory_space<vmem>>
        %parallel_loop3A_254 = tpu.memref_squeeze %parallel_loop3A_253 : memref<1x100000xf32, #tpu.memory_space<vmem>> -> memref<100000xf32, #tpu.memory_space<vmem>>
        %parallel_loop3A_255 = tpu.vector_load_idx %parallel_loop3A_254[%parallel_loop3A_250] : memref<100000xf32, #tpu.memory_space<vmem>>[vector<16xi32>], vector<16xf32>,
        %parallel_loop3A_256 = arith.constant 1 : i32
        %parallel_loop3A_257 = arith.index_cast %parallel_loop3A_256 : i32 to index
        %parallel_loop3A_258 = arith.index_cast %parallel_loop3A_246 : i32 to index
        %parallel_loop3A_259 = tpu.vector_load %arg9[%parallel_loop3A_257, %parallel_loop3A_258] {strides = array<i32>} : memref<2x4096xf32, #tpu.memory_space<vmem>>, vector<16xf32>,
        tpu.vector_store %arg9[%parallel_loop3A_257, %parallel_loop3A_258], %parallel_loop3A_255 {strides = array<i32>} : memref<2x4096xf32, #tpu.memory_space<vmem>>, vector<16xf32>,
      } {sc.loop_unroll_factor = 8 : i64, sc.parallel_access}
      %dma_wait3A_221 = arith.constant 0 : i32
      %dma_wait3A_222 = arith.constant 0 : i32
      %dma_wait3A_223 = arith.constant 0 : i32
      %dma_wait3A_224 = tpu.memref_slice %arg9[%dma_wait3A_221, %dma_wait3A_223] : memref<2x4096xf32, #tpu.memory_space<vmem>> -> memref<1x4096xf32, #tpu.memory_space<vmem>>
      %dma_wait3A_225 = tpu.memref_squeeze %dma_wait3A_224 : memref<1x4096xf32, #tpu.memory_space<vmem>> -> memref<4096xf32, #tpu.memory_space<vmem>>
      %dma_wait3A_226 = arith.constant 0 : i32
      %dma_wait3A_227 = tpu.memref_slice %arg6[%dma_wait3A_222, %dma_wait3A_226] : memref<832x16384xf32, #tpu.memory_space<hbm>> -> memref<1x4096xf32, #tpu.memory_space<hbm>>
      %dma_wait3A_228 = tpu.memref_squeeze %dma_wait3A_227 : memref<1x4096xf32, #tpu.memory_space<hbm>> -> memref<4096xf32, #tpu.memory_space<hbm>>
      %dma_wait3A_229 = arith.constant 0 : i32
      %dma_wait3A_230 = tpu.memref_slice %arg6[%dma_wait3A_222, %dma_wait3A_229] : memref<832x16384xf32, #tpu.memory_space<hbm>> -> memref<1x4096xf32, #tpu.memory_space<hbm>>
      %dma_wait3A_231 = tpu.memref_squeeze %dma_wait3A_230 : memref<1x4096xf32, #tpu.memory_space<hbm>> -> memref<4096xf32, #tpu.memory_space<hbm>>
      %dma_wait3A_232 = arith.constant 0 : i32
      %dma_wait3A_233 = tpu.memref_slice %arg9[%dma_wait3A_221, %dma_wait3A_232] : memref<2x4096xf32, #tpu.memory_space<vmem>> -> memref<1x4096xf32, #tpu.memory_space<vmem>>
      %dma_wait3A_234 = tpu.memref_squeeze %dma_wait3A_233 : memref<1x4096xf32, #tpu.memory_space<vmem>> -> memref<4096xf32, #tpu.memory_space<vmem>>
      tpu.wait_dma2 semaphore(%arg12 : memref<!tpu.dma_semaphore, #tpu.memory_space<semaphore_mem>>) src(%dma_wait3A_234 : memref<4096xf32, #tpu.memory_space<vmem>>) dst(%dma_wait3A_231 : memref<4096xf32, #tpu.memory_space<hbm>>)
      %lt3A_235 = arith.constant 26 : i32
      %lt3A_236 = arith.cmpi slt, %while3A_29, %lt3A_235 : i32
      %convert_element_type3A_237 = arith.extui %lt3A_236 : i1 to i32
      %cond3A_238 = arith.constant 0 : i32
      %cond3A_239 = arith.cmpi ne, %convert_element_type3A_237, %cond3A_238 : i32
      scf.if %cond3A_239 {
        %mul3A_246 = arith.constant 32 : i32
        %mul3A_247 = arith.muli %while3A_29, %mul3A_246 : i32
        %add3A_248 = arith.addi %mul3A_247, %add3A : i32
        %dma_start3A_249 = arith.constant 1 : i32
        %dma_start3A_250 = arith.constant 0 : i32
        %dma_start3A_251 = tpu.memref_slice %arg9[%dma_start3A_249, %dma_start3A_250] : memref<2x4096xf32, #tpu.memory_space<vmem>> -> memref<1x4096xf32, #tpu.memory_space<vmem>>
        %dma_start3A_252 = tpu.memref_squeeze %dma_start3A_251 : memref<1x4096xf32, #tpu.memory_space<vmem>> -> memref<4096xf32, #tpu.memory_space<vmem>>
        %dma_start3A_253 = arith.constant 12288 : i32
        %dma_start3A_254 = tpu.memref_slice %arg6[%add3A_248, %dma_start3A_253] : memref<832x16384xf32, #tpu.memory_space<hbm>> -> memref<1x4096xf32, #tpu.memory_space<hbm>>
        %dma_start3A_255 = tpu.memref_squeeze %dma_start3A_254 : memref<1x4096xf32, #tpu.memory_space<hbm>> -> memref<4096xf32, #tpu.memory_space<hbm>>
        %dma_start3A_256 = arith.constant 12288 : i32
        %dma_start3A_257 = tpu.memref_slice %arg6[%add3A_248, %dma_start3A_256] : memref<832x16384xf32, #tpu.memory_space<hbm>> -> memref<1x4096xf32, #tpu.memory_space<hbm>>
        %dma_start3A_258 = tpu.memref_squeeze %dma_start3A_257 : memref<1x4096xf32, #tpu.memory_space<hbm>> -> memref<4096xf32, #tpu.memory_space<hbm>>
        %dma_start3A_259 = arith.constant 0 : i32
        %dma_start3A_260 = tpu.memref_slice %arg9[%dma_start3A_249, %dma_start3A_259] : memref<2x4096xf32, #tpu.memory_space<vmem>> -> memref<1x4096xf32, #tpu.memory_space<vmem>>
        %dma_start3A_261 = tpu.memref_squeeze %dma_start3A_260 : memref<1x4096xf32, #tpu.memory_space<vmem>> -> memref<4096xf32, #tpu.memory_space<vmem>>
        tpu.enqueue_dma source(%dma_start3A_261 : memref<4096xf32, #tpu.memory_space<vmem>>) target(%dma_start3A_258 : memref<4096xf32, #tpu.memory_space<hbm>>) target_semaphore(%arg12 : memref<!tpu.dma_semaphore, #tpu.memory_space<semaphore_mem>>)
      } else {
      }
      %eq3A_240 = arith.constant 26 : i32
      %eq3A_241 = arith.cmpi eq, %while3A_29, %eq3A_240 : i32
      %convert_element_type3A_242 = arith.extui %eq3A_241 : i1 to i32
      %cond3A_243 = arith.constant 0 : i32
      %cond3A_244 = arith.cmpi ne, %convert_element_type3A_242, %cond3A_243 : i32
      scf.if %cond3A_244 {
        %dma_start3A_246 = arith.constant 1 : i32
        %dma_start3A_247 = arith.constant 0 : i32
        %dma_start3A_248 = tpu.memref_slice %arg9[%dma_start3A_246, %dma_start3A_247] : memref<2x4096xf32, #tpu.memory_space<vmem>> -> memref<1x4096xf32, #tpu.memory_space<vmem>>
        %dma_start3A_249 = tpu.memref_squeeze %dma_start3A_248 : memref<1x4096xf32, #tpu.memory_space<vmem>> -> memref<4096xf32, #tpu.memory_space<vmem>>
        %dma_start3A_250 = arith.constant 12288 : i32
        %dma_start3A_251 = tpu.memref_slice %arg5[%add3A, %dma_start3A_250] : memref<26x16384xf32, #tpu.memory_space<hbm>> -> memref<1x4096xf32, #tpu.memory_space<hbm>>
        %dma_start3A_252 = tpu.memref_squeeze %dma_start3A_251 : memref<1x4096xf32, #tpu.memory_space<hbm>> -> memref<4096xf32, #tpu.memory_space<hbm>>
        %dma_start3A_253 = arith.constant 12288 : i32
        %dma_start3A_254 = tpu.memref_slice %arg5[%add3A, %dma_start3A_253] : memref<26x16384xf32, #tpu.memory_space<hbm>> -> memref<1x4096xf32, #tpu.memory_space<hbm>>
        %dma_start3A_255 = tpu.memref_squeeze %dma_start3A_254 : memref<1x4096xf32, #tpu.memory_space<hbm>> -> memref<4096xf32, #tpu.memory_space<hbm>>
        %dma_start3A_256 = arith.constant 0 : i32
        %dma_start3A_257 = tpu.memref_slice %arg9[%dma_start3A_246, %dma_start3A_256] : memref<2x4096xf32, #tpu.memory_space<vmem>> -> memref<1x4096xf32, #tpu.memory_space<vmem>>
        %dma_start3A_258 = tpu.memref_squeeze %dma_start3A_257 : memref<1x4096xf32, #tpu.memory_space<vmem>> -> memref<4096xf32, #tpu.memory_space<vmem>>
        tpu.enqueue_dma source(%dma_start3A_258 : memref<4096xf32, #tpu.memory_space<vmem>>) target(%dma_start3A_255 : memref<4096xf32, #tpu.memory_space<hbm>>) target_semaphore(%arg12 : memref<!tpu.dma_semaphore, #tpu.memory_space<semaphore_mem>>)
      } else {
      }
      %while3A_245 = arith.constant 0 : i32
      scf.yield %while3A_245 : i32
    }
    %while3A_14 = arith.constant 1 : i32
    %while3A_15 = scf.for %while3A_29 = %while3A_11 to %while3A_7 step %while3A_14 iter_args(%while3A_30 = %while3A_13) -> (i32)  : i32 {
      %lt3A_31 = arith.constant 26 : i32
      %lt3A_32 = arith.cmpi slt, %while3A_29, %lt3A_31 : i32
      %select_n3A_33 = arith.select %lt3A_32, %while3A_29, %add3A : i32
      %dma_start3A = arith.constant 0 : i32
      %dma_start3A_34 = arith.constant 0 : i32
      %dma_start3A_35 = tpu.memref_slice %arg8[%dma_start3A, %dma_start3A_34] : memref<2x4096xi32, #tpu.memory_space<vmem>> -> memref<1x4096xi32, #tpu.memory_space<vmem>>
      %dma_start3A_36 = tpu.memref_squeeze %dma_start3A_35 : memref<1x4096xi32, #tpu.memory_space<vmem>> -> memref<4096xi32, #tpu.memory_space<vmem>>
      %dma_start3A_37 = arith.constant 0 : i32
      %dma_start3A_38 = tpu.memref_slice %arg2[%select_n3A_33, %dma_start3A_37] : memref<26x16384xi32, #tpu.memory_space<hbm>> -> memref<1x4096xi32, #tpu.memory_space<hbm>>
      %dma_start3A_39 = tpu.memref_squeeze %dma_start3A_38 : memref<1x4096xi32, #tpu.memory_space<hbm>> -> memref<4096xi32, #tpu.memory_space<hbm>>
      %dma_start3A_40 = arith.constant 0 : i32
      %dma_start3A_41 = tpu.memref_slice %arg8[%dma_start3A, %dma_start3A_40] : memref<2x4096xi32, #tpu.memory_space<vmem>> -> memref<1x4096xi32, #tpu.memory_space<vmem>>
      %dma_start3A_42 = tpu.memref_squeeze %dma_start3A_41 : memref<1x4096xi32, #tpu.memory_space<vmem>> -> memref<4096xi32, #tpu.memory_space<vmem>>
      %dma_start3A_43 = arith.constant 0 : i32
      %dma_start3A_44 = tpu.memref_slice %arg2[%select_n3A_33, %dma_start3A_43] : memref<26x16384xi32, #tpu.memory_space<hbm>> -> memref<1x4096xi32, #tpu.memory_space<hbm>>
      %dma_start3A_45 = tpu.memref_squeeze %dma_start3A_44 : memref<1x4096xi32, #tpu.memory_space<hbm>> -> memref<4096xi32, #tpu.memory_space<hbm>>
      tpu.enqueue_dma source(%dma_start3A_45 : memref<4096xi32, #tpu.memory_space<hbm>>) target(%dma_start3A_42 : memref<4096xi32, #tpu.memory_space<vmem>>) target_semaphore(%arg10 : memref<!tpu.dma_semaphore, #tpu.memory_space<semaphore_mem>>)
      %dma_start3A_46 = arith.constant 1 : i32
      %dma_start3A_47 = arith.constant 0 : i32
      %dma_start3A_48 = tpu.memref_slice %arg8[%dma_start3A_46, %dma_start3A_47] : memref<2x4096xi32, #tpu.memory_space<vmem>> -> memref<1x4096xi32, #tpu.memory_space<vmem>>
      %dma_start3A_49 = tpu.memref_squeeze %dma_start3A_48 : memref<1x4096xi32, #tpu.memory_space<vmem>> -> memref<4096xi32, #tpu.memory_space<vmem>>
      %dma_start3A_50 = arith.constant 4096 : i32
      %dma_start3A_51 = tpu.memref_slice %arg2[%select_n3A_33, %dma_start3A_50] : memref<26x16384xi32, #tpu.memory_space<hbm>> -> memref<1x4096xi32, #tpu.memory_space<hbm>>
      %dma_start3A_52 = tpu.memref_squeeze %dma_start3A_51 : memref<1x4096xi32, #tpu.memory_space<hbm>> -> memref<4096xi32, #tpu.memory_space<hbm>>
      %dma_start3A_53 = arith.constant 0 : i32
      %dma_start3A_54 = tpu.memref_slice %arg8[%dma_start3A_46, %dma_start3A_53] : memref<2x4096xi32, #tpu.memory_space<vmem>> -> memref<1x4096xi32, #tpu.memory_space<vmem>>
      %dma_start3A_55 = tpu.memref_squeeze %dma_start3A_54 : memref<1x4096xi32, #tpu.memory_space<vmem>> -> memref<4096xi32, #tpu.memory_space<vmem>>
      %dma_start3A_56 = arith.constant 4096 : i32
      %dma_start3A_57 = tpu.memref_slice %arg2[%select_n3A_33, %dma_start3A_56] : memref<26x16384xi32, #tpu.memory_space<hbm>> -> memref<1x4096xi32, #tpu.memory_space<hbm>>
      %dma_start3A_58 = tpu.memref_squeeze %dma_start3A_57 : memref<1x4096xi32, #tpu.memory_space<hbm>> -> memref<4096xi32, #tpu.memory_space<hbm>>
      tpu.enqueue_dma source(%dma_start3A_58 : memref<4096xi32, #tpu.memory_space<hbm>>) target(%dma_start3A_55 : memref<4096xi32, #tpu.memory_space<vmem>>) target_semaphore(%arg11 : memref<!tpu.dma_semaphore, #tpu.memory_space<semaphore_mem>>)
      %lt3A_59 = arith.constant 26 : i32
      %lt3A_60 = arith.cmpi slt, %while3A_29, %lt3A_59 : i32
      %convert_element_type3A = arith.extui %lt3A_60 : i1 to i32
      %cond3A = arith.constant 0 : i32
      %cond3A_61 = arith.cmpi ne, %convert_element_type3A, %cond3A : i32
      scf.if %cond3A_61 {
        %mul3A_246 = arith.constant 32 : i32
        %mul3A_247 = arith.muli %while3A_29, %mul3A_246 : i32
        %add3A_248 = arith.addi %mul3A_247, %add3A : i32
        %run_scoped3A = arith.constant 0 : i32
        "tpu.region"() ({
          %run_scoped3A_249 = tpu.sem_alloc : memref<!tpu.dma_semaphore, #tpu.memory_space<semaphore_mem>>
          %dma_start3A_250 = arith.constant 0 : i32
          %dma_start3A_251 = tpu.memref_slice %arg7[%run_scoped3A, %dma_start3A_250] : memref<1x100000xf32, #tpu.memory_space<vmem>> -> memref<1x100000xf32, #tpu.memory_space<vmem>>
          %dma_start3A_252 = tpu.memref_squeeze %dma_start3A_251 : memref<1x100000xf32, #tpu.memory_space<vmem>> -> memref<100000xf32, #tpu.memory_space<vmem>>
          %dma_start3A_253 = arith.constant 0 : i32
          %dma_start3A_254 = tpu.memref_slice %arg3[%add3A_248, %dma_start3A_253] : memref<832x100000xf32, #tpu.memory_space<hbm>> -> memref<1x100000xf32, #tpu.memory_space<hbm>>
          %dma_start3A_255 = tpu.memref_squeeze %dma_start3A_254 : memref<1x100000xf32, #tpu.memory_space<hbm>> -> memref<100000xf32, #tpu.memory_space<hbm>>
          %dma_start3A_256 = arith.constant 0 : i32
          %dma_start3A_257 = tpu.memref_slice %arg7[%run_scoped3A, %dma_start3A_256] : memref<1x100000xf32, #tpu.memory_space<vmem>> -> memref<1x100000xf32, #tpu.memory_space<vmem>>
          %dma_start3A_258 = tpu.memref_squeeze %dma_start3A_257 : memref<1x100000xf32, #tpu.memory_space<vmem>> -> memref<100000xf32, #tpu.memory_space<vmem>>
          %dma_start3A_259 = arith.constant 0 : i32
          %dma_start3A_260 = tpu.memref_slice %arg3[%add3A_248, %dma_start3A_259] : memref<832x100000xf32, #tpu.memory_space<hbm>> -> memref<1x100000xf32, #tpu.memory_space<hbm>>
          %dma_start3A_261 = tpu.memref_squeeze %dma_start3A_260 : memref<1x100000xf32, #tpu.memory_space<hbm>> -> memref<100000xf32, #tpu.memory_space<hbm>>
          tpu.enqueue_dma source(%dma_start3A_261 : memref<100000xf32, #tpu.memory_space<hbm>>) target(%dma_start3A_258 : memref<100000xf32, #tpu.memory_space<vmem>>) target_semaphore(%run_scoped3A_249 : memref<!tpu.dma_semaphore, #tpu.memory_space<semaphore_mem>>)
          %dma_wait3A_262 = arith.constant 0 : i32
          %dma_wait3A_263 = tpu.memref_slice %arg7[%run_scoped3A, %dma_wait3A_262] : memref<1x100000xf32, #tpu.memory_space<vmem>> -> memref<1x100000xf32, #tpu.memory_space<vmem>>
          %dma_wait3A_264 = tpu.memref_squeeze %dma_wait3A_263 : memref<1x100000xf32, #tpu.memory_space<vmem>> -> memref<100000xf32, #tpu.memory_space<vmem>>
          %dma_wait3A_265 = arith.constant 0 : i32
          %dma_wait3A_266 = tpu.memref_slice %arg3[%add3A_248, %dma_wait3A_265] : memref<832x100000xf32, #tpu.memory_space<hbm>> -> memref<1x100000xf32, #tpu.memory_space<hbm>>
          %dma_wait3A_267 = tpu.memref_squeeze %dma_wait3A_266 : memref<1x100000xf32, #tpu.memory_space<hbm>> -> memref<100000xf32, #tpu.memory_space<hbm>>
          %dma_wait3A_268 = arith.constant 0 : i32
          %dma_wait3A_269 = tpu.memref_slice %arg7[%run_scoped3A, %dma_wait3A_268] : memref<1x100000xf32, #tpu.memory_space<vmem>> -> memref<1x100000xf32, #tpu.memory_space<vmem>>
          %dma_wait3A_270 = tpu.memref_squeeze %dma_wait3A_269 : memref<1x100000xf32, #tpu.memory_space<vmem>> -> memref<100000xf32, #tpu.memory_space<vmem>>
          %dma_wait3A_271 = arith.constant 0 : i32
          %dma_wait3A_272 = tpu.memref_slice %arg3[%add3A_248, %dma_wait3A_271] : memref<832x100000xf32, #tpu.memory_space<hbm>> -> memref<1x100000xf32, #tpu.memory_space<hbm>>
          %dma_wait3A_273 = tpu.memref_squeeze %dma_wait3A_272 : memref<1x100000xf32, #tpu.memory_space<hbm>> -> memref<100000xf32, #tpu.memory_space<hbm>>
          tpu.wait_dma2 semaphore(%run_scoped3A_249 : memref<!tpu.dma_semaphore, #tpu.memory_space<semaphore_mem>>) src(%dma_wait3A_273 : memref<100000xf32, #tpu.memory_space<hbm>>) dst(%dma_wait3A_270 : memref<100000xf32, #tpu.memory_space<vmem>>)
          tpu.yield
        }) : () -> ()
      } else {
      }
      %eq3A = arith.constant 26 : i32
      %eq3A_62 = arith.cmpi eq, %while3A_29, %eq3A : i32
      %convert_element_type3A_63 = arith.extui %eq3A_62 : i1 to i32
      %cond3A_64 = arith.constant 0 : i32
      %cond3A_65 = arith.cmpi ne, %convert_element_type3A_63, %cond3A_64 : i32
      scf.if %cond3A_65 {
        %run_scoped3A = arith.constant 0 : i32
        "tpu.region"() ({
          %run_scoped3A_246 = tpu.sem_alloc : memref<!tpu.dma_semaphore, #tpu.memory_space<semaphore_mem>>
          %dma_start3A_247 = arith.constant 0 : i32
          %dma_start3A_248 = tpu.memref_slice %arg7[%run_scoped3A, %dma_start3A_247] : memref<1x100000xf32, #tpu.memory_space<vmem>> -> memref<1x100000xf32, #tpu.memory_space<vmem>>
          %dma_start3A_249 = tpu.memref_squeeze %dma_start3A_248 : memref<1x100000xf32, #tpu.memory_space<vmem>> -> memref<100000xf32, #tpu.memory_space<vmem>>
          %dma_start3A_250 = arith.constant 0 : i32
          %dma_start3A_251 = tpu.memref_slice %arg4[%add3A, %dma_start3A_250] : memref<26x100000xf32, #tpu.memory_space<hbm>> -> memref<1x100000xf32, #tpu.memory_space<hbm>>
          %dma_start3A_252 = tpu.memref_squeeze %dma_start3A_251 : memref<1x100000xf32, #tpu.memory_space<hbm>> -> memref<100000xf32, #tpu.memory_space<hbm>>
          %dma_start3A_253 = arith.constant 0 : i32
          %dma_start3A_254 = tpu.memref_slice %arg7[%run_scoped3A, %dma_start3A_253] : memref<1x100000xf32, #tpu.memory_space<vmem>> -> memref<1x100000xf32, #tpu.memory_space<vmem>>
          %dma_start3A_255 = tpu.memref_squeeze %dma_start3A_254 : memref<1x100000xf32, #tpu.memory_space<vmem>> -> memref<100000xf32, #tpu.memory_space<vmem>>
          %dma_start3A_256 = arith.constant 0 : i32
          %dma_start3A_257 = tpu.memref_slice %arg4[%add3A, %dma_start3A_256] : memref<26x100000xf32, #tpu.memory_space<hbm>> -> memref<1x100000xf32, #tpu.memory_space<hbm>>
          %dma_start3A_258 = tpu.memref_squeeze %dma_start3A_257 : memref<1x100000xf32, #tpu.memory_space<hbm>> -> memref<100000xf32, #tpu.memory_space<hbm>>
          tpu.enqueue_dma source(%dma_start3A_258 : memref<100000xf32, #tpu.memory_space<hbm>>) target(%dma_start3A_255 : memref<100000xf32, #tpu.memory_space<vmem>>) target_semaphore(%run_scoped3A_246 : memref<!tpu.dma_semaphore, #tpu.memory_space<semaphore_mem>>)
          %dma_wait3A_259 = arith.constant 0 : i32
          %dma_wait3A_260 = tpu.memref_slice %arg7[%run_scoped3A, %dma_wait3A_259] : memref<1x100000xf32, #tpu.memory_space<vmem>> -> memref<1x100000xf32, #tpu.memory_space<vmem>>
          %dma_wait3A_261 = tpu.memref_squeeze %dma_wait3A_260 : memref<1x100000xf32, #tpu.memory_space<vmem>> -> memref<100000xf32, #tpu.memory_space<vmem>>
          %dma_wait3A_262 = arith.constant 0 : i32
          %dma_wait3A_263 = tpu.memref_slice %arg4[%add3A, %dma_wait3A_262] : memref<26x100000xf32, #tpu.memory_space<hbm>> -> memref<1x100000xf32, #tpu.memory_space<hbm>>
          %dma_wait3A_264 = tpu.memref_squeeze %dma_wait3A_263 : memref<1x100000xf32, #tpu.memory_space<hbm>> -> memref<100000xf32, #tpu.memory_space<hbm>>
          %dma_wait3A_265 = arith.constant 0 : i32
          %dma_wait3A_266 = tpu.memref_slice %arg7[%run_scoped3A, %dma_wait3A_265] : memref<1x100000xf32, #tpu.memory_space<vmem>> -> memref<1x100000xf32, #tpu.memory_space<vmem>>
          %dma_wait3A_267 = tpu.memref_squeeze %dma_wait3A_266 : memref<1x100000xf32, #tpu.memory_space<vmem>> -> memref<100000xf32, #tpu.memory_space<vmem>>
          %dma_wait3A_268 = arith.constant 0 : i32
          %dma_wait3A_269 = tpu.memref_slice %arg4[%add3A, %dma_wait3A_268] : memref<26x100000xf32, #tpu.memory_space<hbm>> -> memref<1x100000xf32, #tpu.memory_space<hbm>>
          %dma_wait3A_270 = tpu.memref_squeeze %dma_wait3A_269 : memref<1x100000xf32, #tpu.memory_space<hbm>> -> memref<100000xf32, #tpu.memory_space<hbm>>
          tpu.wait_dma2 semaphore(%run_scoped3A_246 : memref<!tpu.dma_semaphore, #tpu.memory_space<semaphore_mem>>) src(%dma_wait3A_270 : memref<100000xf32, #tpu.memory_space<hbm>>) dst(%dma_wait3A_267 : memref<100000xf32, #tpu.memory_space<vmem>>)
          tpu.yield
        }) : () -> ()
      } else {
      }
      %dma_wait3A_66 = arith.constant 0 : i32
      %dma_wait3A_67 = arith.constant 0 : i32
      %dma_wait3A_68 = arith.constant 0 : i32
      %dma_wait3A_69 = tpu.memref_slice %arg8[%dma_wait3A_67, %dma_wait3A_68] : memref<2x4096xi32, #tpu.memory_space<vmem>> -> memref<1x4096xi32, #tpu.memory_space<vmem>>
      %dma_wait3A_70 = tpu.memref_squeeze %dma_wait3A_69 : memref<1x4096xi32, #tpu.memory_space<vmem>> -> memref<4096xi32, #tpu.memory_space<vmem>>
      %dma_wait3A_71 = arith.constant 0 : i32
      %dma_wait3A_72 = tpu.memref_slice %arg2[%dma_wait3A_66, %dma_wait3A_71] : memref<26x16384xi32, #tpu.memory_space<hbm>> -> memref<1x4096xi32, #tpu.memory_space<hbm>>
      %dma_wait3A_73 = tpu.memref_squeeze %dma_wait3A_72 : memref<1x4096xi32, #tpu.memory_space<hbm>> -> memref<4096xi32, #tpu.memory_space<hbm>>
      %dma_wait3A_74 = arith.constant 0 : i32
      %dma_wait3A_75 = tpu.memref_slice %arg8[%dma_wait3A_67, %dma_wait3A_74] : memref<2x4096xi32, #tpu.memory_space<vmem>> -> memref<1x4096xi32, #tpu.memory_space<vmem>>
      %dma_wait3A_76 = tpu.memref_squeeze %dma_wait3A_75 : memref<1x4096xi32, #tpu.memory_space<vmem>> -> memref<4096xi32, #tpu.memory_space<vmem>>
      %dma_wait3A_77 = arith.constant 0 : i32
      %dma_wait3A_78 = tpu.memref_slice %arg2[%dma_wait3A_66, %dma_wait3A_77] : memref<26x16384xi32, #tpu.memory_space<hbm>> -> memref<1x4096xi32, #tpu.memory_space<hbm>>
      %dma_wait3A_79 = tpu.memref_squeeze %dma_wait3A_78 : memref<1x4096xi32, #tpu.memory_space<hbm>> -> memref<4096xi32, #tpu.memory_space<hbm>>
      tpu.wait_dma2 semaphore(%arg10 : memref<!tpu.dma_semaphore, #tpu.memory_space<semaphore_mem>>) src(%dma_wait3A_79 : memref<4096xi32, #tpu.memory_space<hbm>>) dst(%dma_wait3A_76 : memref<4096xi32, #tpu.memory_space<vmem>>)
      %parallel_loop3A = arith.constant 0 : i32
      %parallel_loop3A_80 = arith.constant 4096 : i32
      %parallel_loop3A_81 = arith.constant 16 : i32
      scf.for %parallel_loop3A_246 = %parallel_loop3A to %parallel_loop3A_80 step %parallel_loop3A_81  : i32 {
        %parallel_loop3A_247 = arith.constant 0 : i32
        %parallel_loop3A_248 = arith.index_cast %parallel_loop3A_247 : i32 to index
        %parallel_loop3A_249 = arith.index_cast %parallel_loop3A_246 : i32 to index
        %parallel_loop3A_250 = tpu.vector_load %arg8[%parallel_loop3A_248, %parallel_loop3A_249] {strides = array<i32>} : memref<2x4096xi32, #tpu.memory_space<vmem>>, vector<16xi32>,
        %parallel_loop3A_251 = arith.constant 0 : i32
        %parallel_loop3A_252 = arith.constant 0 : i32
        %parallel_loop3A_253 = tpu.memref_slice %arg7[%parallel_loop3A_251, %parallel_loop3A_252] : memref<1x100000xf32, #tpu.memory_space<vmem>> -> memref<1x100000xf32, #tpu.memory_space<vmem>>
        %parallel_loop3A_254 = tpu.memref_squeeze %parallel_loop3A_253 : memref<1x100000xf32, #tpu.memory_space<vmem>> -> memref<100000xf32, #tpu.memory_space<vmem>>
        %parallel_loop3A_255 = tpu.vector_load_idx %parallel_loop3A_254[%parallel_loop3A_250] : memref<100000xf32, #tpu.memory_space<vmem>>[vector<16xi32>], vector<16xf32>,
        %parallel_loop3A_256 = arith.constant 0 : i32
        %parallel_loop3A_257 = arith.index_cast %parallel_loop3A_256 : i32 to index
        %parallel_loop3A_258 = arith.index_cast %parallel_loop3A_246 : i32 to index
        %parallel_loop3A_259 = tpu.vector_load %arg9[%parallel_loop3A_257, %parallel_loop3A_258] {strides = array<i32>} : memref<2x4096xf32, #tpu.memory_space<vmem>>, vector<16xf32>,
        tpu.vector_store %arg9[%parallel_loop3A_257, %parallel_loop3A_258], %parallel_loop3A_255 {strides = array<i32>} : memref<2x4096xf32, #tpu.memory_space<vmem>>, vector<16xf32>,
      } {sc.loop_unroll_factor = 8 : i64, sc.parallel_access}
      %dma_start3A_82 = arith.constant 0 : i32
      %dma_start3A_83 = arith.constant 0 : i32
      %dma_start3A_84 = tpu.memref_slice %arg8[%dma_start3A_82, %dma_start3A_83] : memref<2x4096xi32, #tpu.memory_space<vmem>> -> memref<1x4096xi32, #tpu.memory_space<vmem>>
      %dma_start3A_85 = tpu.memref_squeeze %dma_start3A_84 : memref<1x4096xi32, #tpu.memory_space<vmem>> -> memref<4096xi32, #tpu.memory_space<vmem>>
      %dma_start3A_86 = arith.constant 8192 : i32
      %dma_start3A_87 = tpu.memref_slice %arg2[%select_n3A_33, %dma_start3A_86] : memref<26x16384xi32, #tpu.memory_space<hbm>> -> memref<1x4096xi32, #tpu.memory_space<hbm>>
      %dma_start3A_88 = tpu.memref_squeeze %dma_start3A_87 : memref<1x4096xi32, #tpu.memory_space<hbm>> -> memref<4096xi32, #tpu.memory_space<hbm>>
      %dma_start3A_89 = arith.constant 0 : i32
      %dma_start3A_90 = tpu.memref_slice %arg8[%dma_start3A_82, %dma_start3A_89] : memref<2x4096xi32, #tpu.memory_space<vmem>> -> memref<1x4096xi32, #tpu.memory_space<vmem>>
      %dma_start3A_91 = tpu.memref_squeeze %dma_start3A_90 : memref<1x4096xi32, #tpu.memory_space<vmem>> -> memref<4096xi32, #tpu.memory_space<vmem>>
      %dma_start3A_92 = arith.constant 8192 : i32
      %dma_start3A_93 = tpu.memref_slice %arg2[%select_n3A_33, %dma_start3A_92] : memref<26x16384xi32, #tpu.memory_space<hbm>> -> memref<1x4096xi32, #tpu.memory_space<hbm>>
      %dma_start3A_94 = tpu.memref_squeeze %dma_start3A_93 : memref<1x4096xi32, #tpu.memory_space<hbm>> -> memref<4096xi32, #tpu.memory_space<hbm>>
      tpu.enqueue_dma source(%dma_start3A_94 : memref<4096xi32, #tpu.memory_space<hbm>>) target(%dma_start3A_91 : memref<4096xi32, #tpu.memory_space<vmem>>) target_semaphore(%arg10 : memref<!tpu.dma_semaphore, #tpu.memory_space<semaphore_mem>>)
      %ne3A = arith.constant 0 : i32
      %ne3A_95 = arith.cmpi ne, %while3A_29, %ne3A : i32
      %convert_element_type3A_96 = arith.extui %ne3A_95 : i1 to i32
      %cond3A_97 = arith.constant 0 : i32
      %cond3A_98 = arith.cmpi ne, %convert_element_type3A_96, %cond3A_97 : i32
      scf.if %cond3A_98 {
        %dma_wait3A_246 = arith.constant 0 : i32
        %dma_wait3A_247 = arith.constant 0 : i32
        %dma_wait3A_248 = arith.constant 0 : i32
        %dma_wait3A_249 = tpu.memref_slice %arg9[%dma_wait3A_246, %dma_wait3A_248] : memref<2x4096xf32, #tpu.memory_space<vmem>> -> memref<1x4096xf32, #tpu.memory_space<vmem>>
        %dma_wait3A_250 = tpu.memref_squeeze %dma_wait3A_249 : memref<1x4096xf32, #tpu.memory_space<vmem>> -> memref<4096xf32, #tpu.memory_space<vmem>>
        %dma_wait3A_251 = arith.constant 0 : i32
        %dma_wait3A_252 = tpu.memref_slice %arg6[%dma_wait3A_247, %dma_wait3A_251] : memref<832x16384xf32, #tpu.memory_space<hbm>> -> memref<1x4096xf32, #tpu.memory_space<hbm>>
        %dma_wait3A_253 = tpu.memref_squeeze %dma_wait3A_252 : memref<1x4096xf32, #tpu.memory_space<hbm>> -> memref<4096xf32, #tpu.memory_space<hbm>>
        %dma_wait3A_254 = arith.constant 0 : i32
        %dma_wait3A_255 = tpu.memref_slice %arg6[%dma_wait3A_247, %dma_wait3A_254] : memref<832x16384xf32, #tpu.memory_space<hbm>> -> memref<1x4096xf32, #tpu.memory_space<hbm>>
        %dma_wait3A_256 = tpu.memref_squeeze %dma_wait3A_255 : memref<1x4096xf32, #tpu.memory_space<hbm>> -> memref<4096xf32, #tpu.memory_space<hbm>>
        %dma_wait3A_257 = arith.constant 0 : i32
        %dma_wait3A_258 = tpu.memref_slice %arg9[%dma_wait3A_246, %dma_wait3A_257] : memref<2x4096xf32, #tpu.memory_space<vmem>> -> memref<1x4096xf32, #tpu.memory_space<vmem>>
        %dma_wait3A_259 = tpu.memref_squeeze %dma_wait3A_258 : memref<1x4096xf32, #tpu.memory_space<vmem>> -> memref<4096xf32, #tpu.memory_space<vmem>>
        tpu.wait_dma2 semaphore(%arg12 : memref<!tpu.dma_semaphore, #tpu.memory_space<semaphore_mem>>) src(%dma_wait3A_259 : memref<4096xf32, #tpu.memory_space<vmem>>) dst(%dma_wait3A_256 : memref<4096xf32, #tpu.memory_space<hbm>>)
      } else {
      }
      %lt3A_99 = arith.constant 26 : i32
      %lt3A_100 = arith.cmpi slt, %while3A_29, %lt3A_99 : i32
      %convert_element_type3A_101 = arith.extui %lt3A_100 : i1 to i32
      %cond3A_102 = arith.constant 0 : i32
      %cond3A_103 = arith.cmpi ne, %convert_element_type3A_101, %cond3A_102 : i32
      scf.if %cond3A_103 {
        %mul3A_246 = arith.constant 32 : i32
        %mul3A_247 = arith.muli %while3A_29, %mul3A_246 : i32
        %add3A_248 = arith.addi %mul3A_247, %add3A : i32
        %dma_start3A_249 = arith.constant 0 : i32
        %dma_start3A_250 = arith.constant 0 : i32
        %dma_start3A_251 = tpu.memref_slice %arg9[%dma_start3A_249, %dma_start3A_250] : memref<2x4096xf32, #tpu.memory_space<vmem>> -> memref<1x4096xf32, #tpu.memory_space<vmem>>
        %dma_start3A_252 = tpu.memref_squeeze %dma_start3A_251 : memref<1x4096xf32, #tpu.memory_space<vmem>> -> memref<4096xf32, #tpu.memory_space<vmem>>
        %dma_start3A_253 = arith.constant 0 : i32
        %dma_start3A_254 = tpu.memref_slice %arg6[%add3A_248, %dma_start3A_253] : memref<832x16384xf32, #tpu.memory_space<hbm>> -> memref<1x4096xf32, #tpu.memory_space<hbm>>
        %dma_start3A_255 = tpu.memref_squeeze %dma_start3A_254 : memref<1x4096xf32, #tpu.memory_space<hbm>> -> memref<4096xf32, #tpu.memory_space<hbm>>
        %dma_start3A_256 = arith.constant 0 : i32
        %dma_start3A_257 = tpu.memref_slice %arg6[%add3A_248, %dma_start3A_256] : memref<832x16384xf32, #tpu.memory_space<hbm>> -> memref<1x4096xf32, #tpu.memory_space<hbm>>
        %dma_start3A_258 = tpu.memref_squeeze %dma_start3A_257 : memref<1x4096xf32, #tpu.memory_space<hbm>> -> memref<4096xf32, #tpu.memory_space<hbm>>
        %dma_start3A_259 = arith.constant 0 : i32
        %dma_start3A_260 = tpu.memref_slice %arg9[%dma_start3A_249, %dma_start3A_259] : memref<2x4096xf32, #tpu.memory_space<vmem>> -> memref<1x4096xf32, #tpu.memory_space<vmem>>
        %dma_start3A_261 = tpu.memref_squeeze %dma_start3A_260 : memref<1x4096xf32, #tpu.memory_space<vmem>> -> memref<4096xf32, #tpu.memory_space<vmem>>
        tpu.enqueue_dma source(%dma_start3A_261 : memref<4096xf32, #tpu.memory_space<vmem>>) target(%dma_start3A_258 : memref<4096xf32, #tpu.memory_space<hbm>>) target_semaphore(%arg12 : memref<!tpu.dma_semaphore, #tpu.memory_space<semaphore_mem>>)
      } else {
      }
      %eq3A_104 = arith.constant 26 : i32
      %eq3A_105 = arith.cmpi eq, %while3A_29, %eq3A_104 : i32
      %convert_element_type3A_106 = arith.extui %eq3A_105 : i1 to i32
      %cond3A_107 = arith.constant 0 : i32
      %cond3A_108 = arith.cmpi ne, %convert_element_type3A_106, %cond3A_107 : i32
      scf.if %cond3A_108 {
        %dma_start3A_246 = arith.constant 0 : i32
        %dma_start3A_247 = arith.constant 0 : i32
        %dma_start3A_248 = tpu.memref_slice %arg9[%dma_start3A_246, %dma_start3A_247] : memref<2x4096xf32, #tpu.memory_space<vmem>> -> memref<1x4096xf32, #tpu.memory_space<vmem>>
        %dma_start3A_249 = tpu.memref_squeeze %dma_start3A_248 : memref<1x4096xf32, #tpu.memory_space<vmem>> -> memref<4096xf32, #tpu.memory_space<vmem>>
        %dma_start3A_250 = arith.constant 0 : i32
        %dma_start3A_251 = tpu.memref_slice %arg5[%add3A, %dma_start3A_250] : memref<26x16384xf32, #tpu.memory_space<hbm>> -> memref<1x4096xf32, #tpu.memory_space<hbm>>
        %dma_start3A_252 = tpu.memref_squeeze %dma_start3A_251 : memref<1x4096xf32, #tpu.memory_space<hbm>> -> memref<4096xf32, #tpu.memory_space<hbm>>
        %dma_start3A_253 = arith.constant 0 : i32
        %dma_start3A_254 = tpu.memref_slice %arg5[%add3A, %dma_start3A_253] : memref<26x16384xf32, #tpu.memory_space<hbm>> -> memref<1x4096xf32, #tpu.memory_space<hbm>>
        %dma_start3A_255 = tpu.memref_squeeze %dma_start3A_254 : memref<1x4096xf32, #tpu.memory_space<hbm>> -> memref<4096xf32, #tpu.memory_space<hbm>>
        %dma_start3A_256 = arith.constant 0 : i32
        %dma_start3A_257 = tpu.memref_slice %arg9[%dma_start3A_246, %dma_start3A_256] : memref<2x4096xf32, #tpu.memory_space<vmem>> -> memref<1x4096xf32, #tpu.memory_space<vmem>>
        %dma_start3A_258 = tpu.memref_squeeze %dma_start3A_257 : memref<1x4096xf32, #tpu.memory_space<vmem>> -> memref<4096xf32, #tpu.memory_space<vmem>>
        tpu.enqueue_dma source(%dma_start3A_258 : memref<4096xf32, #tpu.memory_space<vmem>>) target(%dma_start3A_255 : memref<4096xf32, #tpu.memory_space<hbm>>) target_semaphore(%arg12 : memref<!tpu.dma_semaphore, #tpu.memory_space<semaphore_mem>>)
      } else {
      }
      %dma_wait3A_109 = arith.constant 0 : i32
      %dma_wait3A_110 = arith.constant 1 : i32
      %dma_wait3A_111 = arith.constant 0 : i32
      %dma_wait3A_112 = tpu.memref_slice %arg8[%dma_wait3A_110, %dma_wait3A_111] : memref<2x4096xi32, #tpu.memory_space<vmem>> -> memref<1x4096xi32, #tpu.memory_space<vmem>>
      %dma_wait3A_113 = tpu.memref_squeeze %dma_wait3A_112 : memref<1x4096xi32, #tpu.memory_space<vmem>> -> memref<4096xi32, #tpu.memory_space<vmem>>
      %dma_wait3A_114 = arith.constant 0 : i32
      %dma_wait3A_115 = tpu.memref_slice %arg2[%dma_wait3A_109, %dma_wait3A_114] : memref<26x16384xi32, #tpu.memory_space<hbm>> -> memref<1x4096xi32, #tpu.memory_space<hbm>>
      %dma_wait3A_116 = tpu.memref_squeeze %dma_wait3A_115 : memref<1x4096xi32, #tpu.memory_space<hbm>> -> memref<4096xi32, #tpu.memory_space<hbm>>
      %dma_wait3A_117 = arith.constant 0 : i32
      %dma_wait3A_118 = tpu.memref_slice %arg8[%dma_wait3A_110, %dma_wait3A_117] : memref<2x4096xi32, #tpu.memory_space<vmem>> -> memref<1x4096xi32, #tpu.memory_space<vmem>>
      %dma_wait3A_119 = tpu.memref_squeeze %dma_wait3A_118 : memref<1x4096xi32, #tpu.memory_space<vmem>> -> memref<4096xi32, #tpu.memory_space<vmem>>
      %dma_wait3A_120 = arith.constant 0 : i32
      %dma_wait3A_121 = tpu.memref_slice %arg2[%dma_wait3A_109, %dma_wait3A_120] : memref<26x16384xi32, #tpu.memory_space<hbm>> -> memref<1x4096xi32, #tpu.memory_space<hbm>>
      %dma_wait3A_122 = tpu.memref_squeeze %dma_wait3A_121 : memref<1x4096xi32, #tpu.memory_space<hbm>> -> memref<4096xi32, #tpu.memory_space<hbm>>
      tpu.wait_dma2 semaphore(%arg11 : memref<!tpu.dma_semaphore, #tpu.memory_space<semaphore_mem>>) src(%dma_wait3A_122 : memref<4096xi32, #tpu.memory_space<hbm>>) dst(%dma_wait3A_119 : memref<4096xi32, #tpu.memory_space<vmem>>)
      %parallel_loop3A_123 = arith.constant 0 : i32
      %parallel_loop3A_124 = arith.constant 4096 : i32
      %parallel_loop3A_125 = arith.constant 16 : i32
      scf.for %parallel_loop3A_246 = %parallel_loop3A_123 to %parallel_loop3A_124 step %parallel_loop3A_125  : i32 {
        %parallel_loop3A_247 = arith.constant 1 : i32
        %parallel_loop3A_248 = arith.index_cast %parallel_loop3A_247 : i32 to index
        %parallel_loop3A_249 = arith.index_cast %parallel_loop3A_246 : i32 to index
        %parallel_loop3A_250 = tpu.vector_load %arg8[%parallel_loop3A_248, %parallel_loop3A_249] {strides = array<i32>} : memref<2x4096xi32, #tpu.memory_space<vmem>>, vector<16xi32>,
        %parallel_loop3A_251 = arith.constant 0 : i32
        %parallel_loop3A_252 = arith.constant 0 : i32
        %parallel_loop3A_253 = tpu.memref_slice %arg7[%parallel_loop3A_251, %parallel_loop3A_252] : memref<1x100000xf32, #tpu.memory_space<vmem>> -> memref<1x100000xf32, #tpu.memory_space<vmem>>
        %parallel_loop3A_254 = tpu.memref_squeeze %parallel_loop3A_253 : memref<1x100000xf32, #tpu.memory_space<vmem>> -> memref<100000xf32, #tpu.memory_space<vmem>>
        %parallel_loop3A_255 = tpu.vector_load_idx %parallel_loop3A_254[%parallel_loop3A_250] : memref<100000xf32, #tpu.memory_space<vmem>>[vector<16xi32>], vector<16xf32>,
        %parallel_loop3A_256 = arith.constant 1 : i32
        %parallel_loop3A_257 = arith.index_cast %parallel_loop3A_256 : i32 to index
        %parallel_loop3A_258 = arith.index_cast %parallel_loop3A_246 : i32 to index
        %parallel_loop3A_259 = tpu.vector_load %arg9[%parallel_loop3A_257, %parallel_loop3A_258] {strides = array<i32>} : memref<2x4096xf32, #tpu.memory_space<vmem>>, vector<16xf32>,
        tpu.vector_store %arg9[%parallel_loop3A_257, %parallel_loop3A_258], %parallel_loop3A_255 {strides = array<i32>} : memref<2x4096xf32, #tpu.memory_space<vmem>>, vector<16xf32>,
      } {sc.loop_unroll_factor = 8 : i64, sc.parallel_access}
      %dma_start3A_126 = arith.constant 1 : i32
      %dma_start3A_127 = arith.constant 0 : i32
      %dma_start3A_128 = tpu.memref_slice %arg8[%dma_start3A_126, %dma_start3A_127] : memref<2x4096xi32, #tpu.memory_space<vmem>> -> memref<1x4096xi32, #tpu.memory_space<vmem>>
      %dma_start3A_129 = tpu.memref_squeeze %dma_start3A_128 : memref<1x4096xi32, #tpu.memory_space<vmem>> -> memref<4096xi32, #tpu.memory_space<vmem>>
      %dma_start3A_130 = arith.constant 12288 : i32
      %dma_start3A_131 = tpu.memref_slice %arg2[%select_n3A_33, %dma_start3A_130] : memref<26x16384xi32, #tpu.memory_space<hbm>> -> memref<1x4096xi32, #tpu.memory_space<hbm>>
      %dma_start3A_132 = tpu.memref_squeeze %dma_start3A_131 : memref<1x4096xi32, #tpu.memory_space<hbm>> -> memref<4096xi32, #tpu.memory_space<hbm>>
      %dma_start3A_133 = arith.constant 0 : i32
      %dma_start3A_134 = tpu.memref_slice %arg8[%dma_start3A_126, %dma_start3A_133] : memref<2x4096xi32, #tpu.memory_space<vmem>> -> memref<1x4096xi32, #tpu.memory_space<vmem>>
      %dma_start3A_135 = tpu.memref_squeeze %dma_start3A_134 : memref<1x4096xi32, #tpu.memory_space<vmem>> -> memref<4096xi32, #tpu.memory_space<vmem>>
      %dma_start3A_136 = arith.constant 12288 : i32
      %dma_start3A_137 = tpu.memref_slice %arg2[%select_n3A_33, %dma_start3A_136] : memref<26x16384xi32, #tpu.memory_space<hbm>> -> memref<1x4096xi32, #tpu.memory_space<hbm>>
      %dma_start3A_138 = tpu.memref_squeeze %dma_start3A_137 : memref<1x4096xi32, #tpu.memory_space<hbm>> -> memref<4096xi32, #tpu.memory_space<hbm>>
      tpu.enqueue_dma source(%dma_start3A_138 : memref<4096xi32, #tpu.memory_space<hbm>>) target(%dma_start3A_135 : memref<4096xi32, #tpu.memory_space<vmem>>) target_semaphore(%arg11 : memref<!tpu.dma_semaphore, #tpu.memory_space<semaphore_mem>>)
      %dma_wait3A_139 = arith.constant 0 : i32
      %dma_wait3A_140 = arith.constant 0 : i32
      %dma_wait3A_141 = arith.constant 0 : i32
      %dma_wait3A_142 = tpu.memref_slice %arg9[%dma_wait3A_139, %dma_wait3A_141] : memref<2x4096xf32, #tpu.memory_space<vmem>> -> memref<1x4096xf32, #tpu.memory_space<vmem>>
      %dma_wait3A_143 = tpu.memref_squeeze %dma_wait3A_142 : memref<1x4096xf32, #tpu.memory_space<vmem>> -> memref<4096xf32, #tpu.memory_space<vmem>>
      %dma_wait3A_144 = arith.constant 0 : i32
      %dma_wait3A_145 = tpu.memref_slice %arg6[%dma_wait3A_140, %dma_wait3A_144] : memref<832x16384xf32, #tpu.memory_space<hbm>> -> memref<1x4096xf32, #tpu.memory_space<hbm>>
      %dma_wait3A_146 = tpu.memref_squeeze %dma_wait3A_145 : memref<1x4096xf32, #tpu.memory_space<hbm>> -> memref<4096xf32, #tpu.memory_space<hbm>>
      %dma_wait3A_147 = arith.constant 0 : i32
      %dma_wait3A_148 = tpu.memref_slice %arg6[%dma_wait3A_140, %dma_wait3A_147] : memref<832x16384xf32, #tpu.memory_space<hbm>> -> memref<1x4096xf32, #tpu.memory_space<hbm>>
      %dma_wait3A_149 = tpu.memref_squeeze %dma_wait3A_148 : memref<1x4096xf32, #tpu.memory_space<hbm>> -> memref<4096xf32, #tpu.memory_space<hbm>>
      %dma_wait3A_150 = arith.constant 0 : i32
      %dma_wait3A_151 = tpu.memref_slice %arg9[%dma_wait3A_139, %dma_wait3A_150] : memref<2x4096xf32, #tpu.memory_space<vmem>> -> memref<1x4096xf32, #tpu.memory_space<vmem>>
      %dma_wait3A_152 = tpu.memref_squeeze %dma_wait3A_151 : memref<1x4096xf32, #tpu.memory_space<vmem>> -> memref<4096xf32, #tpu.memory_space<vmem>>
      tpu.wait_dma2 semaphore(%arg12 : memref<!tpu.dma_semaphore, #tpu.memory_space<semaphore_mem>>) src(%dma_wait3A_152 : memref<4096xf32, #tpu.memory_space<vmem>>) dst(%dma_wait3A_149 : memref<4096xf32, #tpu.memory_space<hbm>>)
      %lt3A_153 = arith.constant 26 : i32
      %lt3A_154 = arith.cmpi slt, %while3A_29, %lt3A_153 : i32
      %convert_element_type3A_155 = arith.extui %lt3A_154 : i1 to i32
      %cond3A_156 = arith.constant 0 : i32
      %cond3A_157 = arith.cmpi ne, %convert_element_type3A_155, %cond3A_156 : i32
      scf.if %cond3A_157 {
        %mul3A_246 = arith.constant 32 : i32
        %mul3A_247 = arith.muli %while3A_29, %mul3A_246 : i32
        %add3A_248 = arith.addi %mul3A_247, %add3A : i32
        %dma_start3A_249 = arith.constant 1 : i32
        %dma_start3A_250 = arith.constant 0 : i32
        %dma_start3A_251 = tpu.memref_slice %arg9[%dma_start3A_249, %dma_start3A_250] : memref<2x4096xf32, #tpu.memory_space<vmem>> -> memref<1x4096xf32, #tpu.memory_space<vmem>>
        %dma_start3A_252 = tpu.memref_squeeze %dma_start3A_251 : memref<1x4096xf32, #tpu.memory_space<vmem>> -> memref<4096xf32, #tpu.memory_space<vmem>>
        %dma_start3A_253 = arith.constant 4096 : i32
        %dma_start3A_254 = tpu.memref_slice %arg6[%add3A_248, %dma_start3A_253] : memref<832x16384xf32, #tpu.memory_space<hbm>> -> memref<1x4096xf32, #tpu.memory_space<hbm>>
        %dma_start3A_255 = tpu.memref_squeeze %dma_start3A_254 : memref<1x4096xf32, #tpu.memory_space<hbm>> -> memref<4096xf32, #tpu.memory_space<hbm>>
        %dma_start3A_256 = arith.constant 4096 : i32
        %dma_start3A_257 = tpu.memref_slice %arg6[%add3A_248, %dma_start3A_256] : memref<832x16384xf32, #tpu.memory_space<hbm>> -> memref<1x4096xf32, #tpu.memory_space<hbm>>
        %dma_start3A_258 = tpu.memref_squeeze %dma_start3A_257 : memref<1x4096xf32, #tpu.memory_space<hbm>> -> memref<4096xf32, #tpu.memory_space<hbm>>
        %dma_start3A_259 = arith.constant 0 : i32
        %dma_start3A_260 = tpu.memref_slice %arg9[%dma_start3A_249, %dma_start3A_259] : memref<2x4096xf32, #tpu.memory_space<vmem>> -> memref<1x4096xf32, #tpu.memory_space<vmem>>
        %dma_start3A_261 = tpu.memref_squeeze %dma_start3A_260 : memref<1x4096xf32, #tpu.memory_space<vmem>> -> memref<4096xf32, #tpu.memory_space<vmem>>
        tpu.enqueue_dma source(%dma_start3A_261 : memref<4096xf32, #tpu.memory_space<vmem>>) target(%dma_start3A_258 : memref<4096xf32, #tpu.memory_space<hbm>>) target_semaphore(%arg12 : memref<!tpu.dma_semaphore, #tpu.memory_space<semaphore_mem>>)
      } else {
      }
      %eq3A_158 = arith.constant 26 : i32
      %eq3A_159 = arith.cmpi eq, %while3A_29, %eq3A_158 : i32
      %convert_element_type3A_160 = arith.extui %eq3A_159 : i1 to i32
      %cond3A_161 = arith.constant 0 : i32
      %cond3A_162 = arith.cmpi ne, %convert_element_type3A_160, %cond3A_161 : i32
      scf.if %cond3A_162 {
        %dma_start3A_246 = arith.constant 1 : i32
        %dma_start3A_247 = arith.constant 0 : i32
        %dma_start3A_248 = tpu.memref_slice %arg9[%dma_start3A_246, %dma_start3A_247] : memref<2x4096xf32, #tpu.memory_space<vmem>> -> memref<1x4096xf32, #tpu.memory_space<vmem>>
        %dma_start3A_249 = tpu.memref_squeeze %dma_start3A_248 : memref<1x4096xf32, #tpu.memory_space<vmem>> -> memref<4096xf32, #tpu.memory_space<vmem>>
        %dma_start3A_250 = arith.constant 4096 : i32
        %dma_start3A_251 = tpu.memref_slice %arg5[%add3A, %dma_start3A_250] : memref<26x16384xf32, #tpu.memory_space<hbm>> -> memref<1x4096xf32, #tpu.memory_space<hbm>>
        %dma_start3A_252 = tpu.memref_squeeze %dma_start3A_251 : memref<1x4096xf32, #tpu.memory_space<hbm>> -> memref<4096xf32, #tpu.memory_space<hbm>>
        %dma_start3A_253 = arith.constant 4096 : i32
        %dma_start3A_254 = tpu.memref_slice %arg5[%add3A, %dma_start3A_253] : memref<26x16384xf32, #tpu.memory_space<hbm>> -> memref<1x4096xf32, #tpu.memory_space<hbm>>
        %dma_start3A_255 = tpu.memref_squeeze %dma_start3A_254 : memref<1x4096xf32, #tpu.memory_space<hbm>> -> memref<4096xf32, #tpu.memory_space<hbm>>
        %dma_start3A_256 = arith.constant 0 : i32
        %dma_start3A_257 = tpu.memref_slice %arg9[%dma_start3A_246, %dma_start3A_256] : memref<2x4096xf32, #tpu.memory_space<vmem>> -> memref<1x4096xf32, #tpu.memory_space<vmem>>
        %dma_start3A_258 = tpu.memref_squeeze %dma_start3A_257 : memref<1x4096xf32, #tpu.memory_space<vmem>> -> memref<4096xf32, #tpu.memory_space<vmem>>
        tpu.enqueue_dma source(%dma_start3A_258 : memref<4096xf32, #tpu.memory_space<vmem>>) target(%dma_start3A_255 : memref<4096xf32, #tpu.memory_space<hbm>>) target_semaphore(%arg12 : memref<!tpu.dma_semaphore, #tpu.memory_space<semaphore_mem>>)
      } else {
      }
      %dma_wait3A_163 = arith.constant 0 : i32
      %dma_wait3A_164 = arith.constant 0 : i32
      %dma_wait3A_165 = arith.constant 0 : i32
      %dma_wait3A_166 = tpu.memref_slice %arg8[%dma_wait3A_164, %dma_wait3A_165] : memref<2x4096xi32, #tpu.memory_space<vmem>> -> memref<1x4096xi32, #tpu.memory_space<vmem>>
      %dma_wait3A_167 = tpu.memref_squeeze %dma_wait3A_166 : memref<1x4096xi32, #tpu.memory_space<vmem>> -> memref<4096xi32, #tpu.memory_space<vmem>>
      %dma_wait3A_168 = arith.constant 0 : i32
      %dma_wait3A_169 = tpu.memref_slice %arg2[%dma_wait3A_163, %dma_wait3A_168] : memref<26x16384xi32, #tpu.memory_space<hbm>> -> memref<1x4096xi32, #tpu.memory_space<hbm>>
      %dma_wait3A_170 = tpu.memref_squeeze %dma_wait3A_169 : memref<1x4096xi32, #tpu.memory_space<hbm>> -> memref<4096xi32, #tpu.memory_space<hbm>>
      %dma_wait3A_171 = arith.constant 0 : i32
      %dma_wait3A_172 = tpu.memref_slice %arg8[%dma_wait3A_164, %dma_wait3A_171] : memref<2x4096xi32, #tpu.memory_space<vmem>> -> memref<1x4096xi32, #tpu.memory_space<vmem>>
      %dma_wait3A_173 = tpu.memref_squeeze %dma_wait3A_172 : memref<1x4096xi32, #tpu.memory_space<vmem>> -> memref<4096xi32, #tpu.memory_space<vmem>>
      %dma_wait3A_174 = arith.constant 0 : i32
      %dma_wait3A_175 = tpu.memref_slice %arg2[%dma_wait3A_163, %dma_wait3A_174] : memref<26x16384xi32, #tpu.memory_space<hbm>> -> memref<1x4096xi32, #tpu.memory_space<hbm>>
      %dma_wait3A_176 = tpu.memref_squeeze %dma_wait3A_175 : memref<1x4096xi32, #tpu.memory_space<hbm>> -> memref<4096xi32, #tpu.memory_space<hbm>>
      tpu.wait_dma2 semaphore(%arg10 : memref<!tpu.dma_semaphore, #tpu.memory_space<semaphore_mem>>) src(%dma_wait3A_176 : memref<4096xi32, #tpu.memory_space<hbm>>) dst(%dma_wait3A_173 : memref<4096xi32, #tpu.memory_space<vmem>>)
      %parallel_loop3A_177 = arith.constant 0 : i32
      %parallel_loop3A_178 = arith.constant 4096 : i32
      %parallel_loop3A_179 = arith.constant 16 : i32
      scf.for %parallel_loop3A_246 = %parallel_loop3A_177 to %parallel_loop3A_178 step %parallel_loop3A_179  : i32 {
        %parallel_loop3A_247 = arith.constant 0 : i32
        %parallel_loop3A_248 = arith.index_cast %parallel_loop3A_247 : i32 to index
        %parallel_loop3A_249 = arith.index_cast %parallel_loop3A_246 : i32 to index
        %parallel_loop3A_250 = tpu.vector_load %arg8[%parallel_loop3A_248, %parallel_loop3A_249] {strides = array<i32>} : memref<2x4096xi32, #tpu.memory_space<vmem>>, vector<16xi32>,
        %parallel_loop3A_251 = arith.constant 0 : i32
        %parallel_loop3A_252 = arith.constant 0 : i32
        %parallel_loop3A_253 = tpu.memref_slice %arg7[%parallel_loop3A_251, %parallel_loop3A_252] : memref<1x100000xf32, #tpu.memory_space<vmem>> -> memref<1x100000xf32, #tpu.memory_space<vmem>>
        %parallel_loop3A_254 = tpu.memref_squeeze %parallel_loop3A_253 : memref<1x100000xf32, #tpu.memory_space<vmem>> -> memref<100000xf32, #tpu.memory_space<vmem>>
        %parallel_loop3A_255 = tpu.vector_load_idx %parallel_loop3A_254[%parallel_loop3A_250] : memref<100000xf32, #tpu.memory_space<vmem>>[vector<16xi32>], vector<16xf32>,
        %parallel_loop3A_256 = arith.constant 0 : i32
        %parallel_loop3A_257 = arith.index_cast %parallel_loop3A_256 : i32 to index
        %parallel_loop3A_258 = arith.index_cast %parallel_loop3A_246 : i32 to index
        %parallel_loop3A_259 = tpu.vector_load %arg9[%parallel_loop3A_257, %parallel_loop3A_258] {strides = array<i32>} : memref<2x4096xf32, #tpu.memory_space<vmem>>, vector<16xf32>,
        tpu.vector_store %arg9[%parallel_loop3A_257, %parallel_loop3A_258], %parallel_loop3A_255 {strides = array<i32>} : memref<2x4096xf32, #tpu.memory_space<vmem>>, vector<16xf32>,
      } {sc.loop_unroll_factor = 8 : i64, sc.parallel_access}
      %dma_wait3A_180 = arith.constant 0 : i32
      %dma_wait3A_181 = arith.constant 0 : i32
      %dma_wait3A_182 = arith.constant 0 : i32
      %dma_wait3A_183 = tpu.memref_slice %arg9[%dma_wait3A_180, %dma_wait3A_182] : memref<2x4096xf32, #tpu.memory_space<vmem>> -> memref<1x4096xf32, #tpu.memory_space<vmem>>
      %dma_wait3A_184 = tpu.memref_squeeze %dma_wait3A_183 : memref<1x4096xf32, #tpu.memory_space<vmem>> -> memref<4096xf32, #tpu.memory_space<vmem>>
      %dma_wait3A_185 = arith.constant 0 : i32
      %dma_wait3A_186 = tpu.memref_slice %arg6[%dma_wait3A_181, %dma_wait3A_185] : memref<832x16384xf32, #tpu.memory_space<hbm>> -> memref<1x4096xf32, #tpu.memory_space<hbm>>
      %dma_wait3A_187 = tpu.memref_squeeze %dma_wait3A_186 : memref<1x4096xf32, #tpu.memory_space<hbm>> -> memref<4096xf32, #tpu.memory_space<hbm>>
      %dma_wait3A_188 = arith.constant 0 : i32
      %dma_wait3A_189 = tpu.memref_slice %arg6[%dma_wait3A_181, %dma_wait3A_188] : memref<832x16384xf32, #tpu.memory_space<hbm>> -> memref<1x4096xf32, #tpu.memory_space<hbm>>
      %dma_wait3A_190 = tpu.memref_squeeze %dma_wait3A_189 : memref<1x4096xf32, #tpu.memory_space<hbm>> -> memref<4096xf32, #tpu.memory_space<hbm>>
      %dma_wait3A_191 = arith.constant 0 : i32
      %dma_wait3A_192 = tpu.memref_slice %arg9[%dma_wait3A_180, %dma_wait3A_191] : memref<2x4096xf32, #tpu.memory_space<vmem>> -> memref<1x4096xf32, #tpu.memory_space<vmem>>
      %dma_wait3A_193 = tpu.memref_squeeze %dma_wait3A_192 : memref<1x4096xf32, #tpu.memory_space<vmem>> -> memref<4096xf32, #tpu.memory_space<vmem>>
      tpu.wait_dma2 semaphore(%arg12 : memref<!tpu.dma_semaphore, #tpu.memory_space<semaphore_mem>>) src(%dma_wait3A_193 : memref<4096xf32, #tpu.memory_space<vmem>>) dst(%dma_wait3A_190 : memref<4096xf32, #tpu.memory_space<hbm>>)
      %lt3A_194 = arith.constant 26 : i32
      %lt3A_195 = arith.cmpi slt, %while3A_29, %lt3A_194 : i32
      %convert_element_type3A_196 = arith.extui %lt3A_195 : i1 to i32
      %cond3A_197 = arith.constant 0 : i32
      %cond3A_198 = arith.cmpi ne, %convert_element_type3A_196, %cond3A_197 : i32
      scf.if %cond3A_198 {
        %mul3A_246 = arith.constant 32 : i32
        %mul3A_247 = arith.muli %while3A_29, %mul3A_246 : i32
        %add3A_248 = arith.addi %mul3A_247, %add3A : i32
        %dma_start3A_249 = arith.constant 0 : i32
        %dma_start3A_250 = arith.constant 0 : i32
        %dma_start3A_251 = tpu.memref_slice %arg9[%dma_start3A_249, %dma_start3A_250] : memref<2x4096xf32, #tpu.memory_space<vmem>> -> memref<1x4096xf32, #tpu.memory_space<vmem>>
        %dma_start3A_252 = tpu.memref_squeeze %dma_start3A_251 : memref<1x4096xf32, #tpu.memory_space<vmem>> -> memref<4096xf32, #tpu.memory_space<vmem>>
        %dma_start3A_253 = arith.constant 8192 : i32
        %dma_start3A_254 = tpu.memref_slice %arg6[%add3A_248, %dma_start3A_253] : memref<832x16384xf32, #tpu.memory_space<hbm>> -> memref<1x4096xf32, #tpu.memory_space<hbm>>
        %dma_start3A_255 = tpu.memref_squeeze %dma_start3A_254 : memref<1x4096xf32, #tpu.memory_space<hbm>> -> memref<4096xf32, #tpu.memory_space<hbm>>
        %dma_start3A_256 = arith.constant 8192 : i32
        %dma_start3A_257 = tpu.memref_slice %arg6[%add3A_248, %dma_start3A_256] : memref<832x16384xf32, #tpu.memory_space<hbm>> -> memref<1x4096xf32, #tpu.memory_space<hbm>>
        %dma_start3A_258 = tpu.memref_squeeze %dma_start3A_257 : memref<1x4096xf32, #tpu.memory_space<hbm>> -> memref<4096xf32, #tpu.memory_space<hbm>>
        %dma_start3A_259 = arith.constant 0 : i32
        %dma_start3A_260 = tpu.memref_slice %arg9[%dma_start3A_249, %dma_start3A_259] : memref<2x4096xf32, #tpu.memory_space<vmem>> -> memref<1x4096xf32, #tpu.memory_space<vmem>>
        %dma_start3A_261 = tpu.memref_squeeze %dma_start3A_260 : memref<1x4096xf32, #tpu.memory_space<vmem>> -> memref<4096xf32, #tpu.memory_space<vmem>>
        tpu.enqueue_dma source(%dma_start3A_261 : memref<4096xf32, #tpu.memory_space<vmem>>) target(%dma_start3A_258 : memref<4096xf32, #tpu.memory_space<hbm>>) target_semaphore(%arg12 : memref<!tpu.dma_semaphore, #tpu.memory_space<semaphore_mem>>)
      } else {
      }
      %eq3A_199 = arith.constant 26 : i32
      %eq3A_200 = arith.cmpi eq, %while3A_29, %eq3A_199 : i32
      %convert_element_type3A_201 = arith.extui %eq3A_200 : i1 to i32
      %cond3A_202 = arith.constant 0 : i32
      %cond3A_203 = arith.cmpi ne, %convert_element_type3A_201, %cond3A_202 : i32
      scf.if %cond3A_203 {
        %dma_start3A_246 = arith.constant 0 : i32
        %dma_start3A_247 = arith.constant 0 : i32
        %dma_start3A_248 = tpu.memref_slice %arg9[%dma_start3A_246, %dma_start3A_247] : memref<2x4096xf32, #tpu.memory_space<vmem>> -> memref<1x4096xf32, #tpu.memory_space<vmem>>
        %dma_start3A_249 = tpu.memref_squeeze %dma_start3A_248 : memref<1x4096xf32, #tpu.memory_space<vmem>> -> memref<4096xf32, #tpu.memory_space<vmem>>
        %dma_start3A_250 = arith.constant 8192 : i32
        %dma_start3A_251 = tpu.memref_slice %arg5[%add3A, %dma_start3A_250] : memref<26x16384xf32, #tpu.memory_space<hbm>> -> memref<1x4096xf32, #tpu.memory_space<hbm>>
        %dma_start3A_252 = tpu.memref_squeeze %dma_start3A_251 : memref<1x4096xf32, #tpu.memory_space<hbm>> -> memref<4096xf32, #tpu.memory_space<hbm>>
        %dma_start3A_253 = arith.constant 8192 : i32
        %dma_start3A_254 = tpu.memref_slice %arg5[%add3A, %dma_start3A_253] : memref<26x16384xf32, #tpu.memory_space<hbm>> -> memref<1x4096xf32, #tpu.memory_space<hbm>>
        %dma_start3A_255 = tpu.memref_squeeze %dma_start3A_254 : memref<1x4096xf32, #tpu.memory_space<hbm>> -> memref<4096xf32, #tpu.memory_space<hbm>>
        %dma_start3A_256 = arith.constant 0 : i32
        %dma_start3A_257 = tpu.memref_slice %arg9[%dma_start3A_246, %dma_start3A_256] : memref<2x4096xf32, #tpu.memory_space<vmem>> -> memref<1x4096xf32, #tpu.memory_space<vmem>>
        %dma_start3A_258 = tpu.memref_squeeze %dma_start3A_257 : memref<1x4096xf32, #tpu.memory_space<vmem>> -> memref<4096xf32, #tpu.memory_space<vmem>>
        tpu.enqueue_dma source(%dma_start3A_258 : memref<4096xf32, #tpu.memory_space<vmem>>) target(%dma_start3A_255 : memref<4096xf32, #tpu.memory_space<hbm>>) target_semaphore(%arg12 : memref<!tpu.dma_semaphore, #tpu.memory_space<semaphore_mem>>)
      } else {
      }
      %dma_wait3A_204 = arith.constant 0 : i32
      %dma_wait3A_205 = arith.constant 1 : i32
      %dma_wait3A_206 = arith.constant 0 : i32
      %dma_wait3A_207 = tpu.memref_slice %arg8[%dma_wait3A_205, %dma_wait3A_206] : memref<2x4096xi32, #tpu.memory_space<vmem>> -> memref<1x4096xi32, #tpu.memory_space<vmem>>
      %dma_wait3A_208 = tpu.memref_squeeze %dma_wait3A_207 : memref<1x4096xi32, #tpu.memory_space<vmem>> -> memref<4096xi32, #tpu.memory_space<vmem>>
      %dma_wait3A_209 = arith.constant 0 : i32
      %dma_wait3A_210 = tpu.memref_slice %arg2[%dma_wait3A_204, %dma_wait3A_209] : memref<26x16384xi32, #tpu.memory_space<hbm>> -> memref<1x4096xi32, #tpu.memory_space<hbm>>
      %dma_wait3A_211 = tpu.memref_squeeze %dma_wait3A_210 : memref<1x4096xi32, #tpu.memory_space<hbm>> -> memref<4096xi32, #tpu.memory_space<hbm>>
      %dma_wait3A_212 = arith.constant 0 : i32
      %dma_wait3A_213 = tpu.memref_slice %arg8[%dma_wait3A_205, %dma_wait3A_212] : memref<2x4096xi32, #tpu.memory_space<vmem>> -> memref<1x4096xi32, #tpu.memory_space<vmem>>
      %dma_wait3A_214 = tpu.memref_squeeze %dma_wait3A_213 : memref<1x4096xi32, #tpu.memory_space<vmem>> -> memref<4096xi32, #tpu.memory_space<vmem>>
      %dma_wait3A_215 = arith.constant 0 : i32
      %dma_wait3A_216 = tpu.memref_slice %arg2[%dma_wait3A_204, %dma_wait3A_215] : memref<26x16384xi32, #tpu.memory_space<hbm>> -> memref<1x4096xi32, #tpu.memory_space<hbm>>
      %dma_wait3A_217 = tpu.memref_squeeze %dma_wait3A_216 : memref<1x4096xi32, #tpu.memory_space<hbm>> -> memref<4096xi32, #tpu.memory_space<hbm>>
      tpu.wait_dma2 semaphore(%arg11 : memref<!tpu.dma_semaphore, #tpu.memory_space<semaphore_mem>>) src(%dma_wait3A_217 : memref<4096xi32, #tpu.memory_space<hbm>>) dst(%dma_wait3A_214 : memref<4096xi32, #tpu.memory_space<vmem>>)
      %parallel_loop3A_218 = arith.constant 0 : i32
      %parallel_loop3A_219 = arith.constant 4096 : i32
      %parallel_loop3A_220 = arith.constant 16 : i32
      scf.for %parallel_loop3A_246 = %parallel_loop3A_218 to %parallel_loop3A_219 step %parallel_loop3A_220  : i32 {
        %parallel_loop3A_247 = arith.constant 1 : i32
        %parallel_loop3A_248 = arith.index_cast %parallel_loop3A_247 : i32 to index
        %parallel_loop3A_249 = arith.index_cast %parallel_loop3A_246 : i32 to index
        %parallel_loop3A_250 = tpu.vector_load %arg8[%parallel_loop3A_248, %parallel_loop3A_249] {strides = array<i32>} : memref<2x4096xi32, #tpu.memory_space<vmem>>, vector<16xi32>,
        %parallel_loop3A_251 = arith.constant 0 : i32
        %parallel_loop3A_252 = arith.constant 0 : i32
        %parallel_loop3A_253 = tpu.memref_slice %arg7[%parallel_loop3A_251, %parallel_loop3A_252] : memref<1x100000xf32, #tpu.memory_space<vmem>> -> memref<1x100000xf32, #tpu.memory_space<vmem>>
        %parallel_loop3A_254 = tpu.memref_squeeze %parallel_loop3A_253 : memref<1x100000xf32, #tpu.memory_space<vmem>> -> memref<100000xf32, #tpu.memory_space<vmem>>
        %parallel_loop3A_255 = tpu.vector_load_idx %parallel_loop3A_254[%parallel_loop3A_250] : memref<100000xf32, #tpu.memory_space<vmem>>[vector<16xi32>], vector<16xf32>,
        %parallel_loop3A_256 = arith.constant 1 : i32
        %parallel_loop3A_257 = arith.index_cast %parallel_loop3A_256 : i32 to index
        %parallel_loop3A_258 = arith.index_cast %parallel_loop3A_246 : i32 to index
        %parallel_loop3A_259 = tpu.vector_load %arg9[%parallel_loop3A_257, %parallel_loop3A_258] {strides = array<i32>} : memref<2x4096xf32, #tpu.memory_space<vmem>>, vector<16xf32>,
        tpu.vector_store %arg9[%parallel_loop3A_257, %parallel_loop3A_258], %parallel_loop3A_255 {strides = array<i32>} : memref<2x4096xf32, #tpu.memory_space<vmem>>, vector<16xf32>,
      } {sc.loop_unroll_factor = 8 : i64, sc.parallel_access}
      %dma_wait3A_221 = arith.constant 0 : i32
      %dma_wait3A_222 = arith.constant 0 : i32
      %dma_wait3A_223 = arith.constant 0 : i32
      %dma_wait3A_224 = tpu.memref_slice %arg9[%dma_wait3A_221, %dma_wait3A_223] : memref<2x4096xf32, #tpu.memory_space<vmem>> -> memref<1x4096xf32, #tpu.memory_space<vmem>>
      %dma_wait3A_225 = tpu.memref_squeeze %dma_wait3A_224 : memref<1x4096xf32, #tpu.memory_space<vmem>> -> memref<4096xf32, #tpu.memory_space<vmem>>
      %dma_wait3A_226 = arith.constant 0 : i32
      %dma_wait3A_227 = tpu.memref_slice %arg6[%dma_wait3A_222, %dma_wait3A_226] : memref<832x16384xf32, #tpu.memory_space<hbm>> -> memref<1x4096xf32, #tpu.memory_space<hbm>>
      %dma_wait3A_228 = tpu.memref_squeeze %dma_wait3A_227 : memref<1x4096xf32, #tpu.memory_space<hbm>> -> memref<4096xf32, #tpu.memory_space<hbm>>
      %dma_wait3A_229 = arith.constant 0 : i32
      %dma_wait3A_230 = tpu.memref_slice %arg6[%dma_wait3A_222, %dma_wait3A_229] : memref<832x16384xf32, #tpu.memory_space<hbm>> -> memref<1x4096xf32, #tpu.memory_space<hbm>>
      %dma_wait3A_231 = tpu.memref_squeeze %dma_wait3A_230 : memref<1x4096xf32, #tpu.memory_space<hbm>> -> memref<4096xf32, #tpu.memory_space<hbm>>
      %dma_wait3A_232 = arith.constant 0 : i32
      %dma_wait3A_233 = tpu.memref_slice %arg9[%dma_wait3A_221, %dma_wait3A_232] : memref<2x4096xf32, #tpu.memory_space<vmem>> -> memref<1x4096xf32, #tpu.memory_space<vmem>>
      %dma_wait3A_234 = tpu.memref_squeeze %dma_wait3A_233 : memref<1x4096xf32, #tpu.memory_space<vmem>> -> memref<4096xf32, #tpu.memory_space<vmem>>
      tpu.wait_dma2 semaphore(%arg12 : memref<!tpu.dma_semaphore, #tpu.memory_space<semaphore_mem>>) src(%dma_wait3A_234 : memref<4096xf32, #tpu.memory_space<vmem>>) dst(%dma_wait3A_231 : memref<4096xf32, #tpu.memory_space<hbm>>)
      %lt3A_235 = arith.constant 26 : i32
      %lt3A_236 = arith.cmpi slt, %while3A_29, %lt3A_235 : i32
      %convert_element_type3A_237 = arith.extui %lt3A_236 : i1 to i32
      %cond3A_238 = arith.constant 0 : i32
      %cond3A_239 = arith.cmpi ne, %convert_element_type3A_237, %cond3A_238 : i32
      scf.if %cond3A_239 {
        %mul3A_246 = arith.constant 32 : i32
        %mul3A_247 = arith.muli %while3A_29, %mul3A_246 : i32
        %add3A_248 = arith.addi %mul3A_247, %add3A : i32
        %dma_start3A_249 = arith.constant 1 : i32
        %dma_start3A_250 = arith.constant 0 : i32
        %dma_start3A_251 = tpu.memref_slice %arg9[%dma_start3A_249, %dma_start3A_250] : memref<2x4096xf32, #tpu.memory_space<vmem>> -> memref<1x4096xf32, #tpu.memory_space<vmem>>
        %dma_start3A_252 = tpu.memref_squeeze %dma_start3A_251 : memref<1x4096xf32, #tpu.memory_space<vmem>> -> memref<4096xf32, #tpu.memory_space<vmem>>
        %dma_start3A_253 = arith.constant 12288 : i32
        %dma_start3A_254 = tpu.memref_slice %arg6[%add3A_248, %dma_start3A_253] : memref<832x16384xf32, #tpu.memory_space<hbm>> -> memref<1x4096xf32, #tpu.memory_space<hbm>>
        %dma_start3A_255 = tpu.memref_squeeze %dma_start3A_254 : memref<1x4096xf32, #tpu.memory_space<hbm>> -> memref<4096xf32, #tpu.memory_space<hbm>>
        %dma_start3A_256 = arith.constant 12288 : i32
        %dma_start3A_257 = tpu.memref_slice %arg6[%add3A_248, %dma_start3A_256] : memref<832x16384xf32, #tpu.memory_space<hbm>> -> memref<1x4096xf32, #tpu.memory_space<hbm>>
        %dma_start3A_258 = tpu.memref_squeeze %dma_start3A_257 : memref<1x4096xf32, #tpu.memory_space<hbm>> -> memref<4096xf32, #tpu.memory_space<hbm>>
        %dma_start3A_259 = arith.constant 0 : i32
        %dma_start3A_260 = tpu.memref_slice %arg9[%dma_start3A_249, %dma_start3A_259] : memref<2x4096xf32, #tpu.memory_space<vmem>> -> memref<1x4096xf32, #tpu.memory_space<vmem>>
        %dma_start3A_261 = tpu.memref_squeeze %dma_start3A_260 : memref<1x4096xf32, #tpu.memory_space<vmem>> -> memref<4096xf32, #tpu.memory_space<vmem>>
        tpu.enqueue_dma source(%dma_start3A_261 : memref<4096xf32, #tpu.memory_space<vmem>>) target(%dma_start3A_258 : memref<4096xf32, #tpu.memory_space<hbm>>) target_semaphore(%arg12 : memref<!tpu.dma_semaphore, #tpu.memory_space<semaphore_mem>>)
      } else {
      }
      %eq3A_240 = arith.constant 26 : i32
      %eq3A_241 = arith.cmpi eq, %while3A_29, %eq3A_240 : i32
      %convert_element_type3A_242 = arith.extui %eq3A_241 : i1 to i32
      %cond3A_243 = arith.constant 0 : i32
      %cond3A_244 = arith.cmpi ne, %convert_element_type3A_242, %cond3A_243 : i32
      scf.if %cond3A_244 {
        %dma_start3A_246 = arith.constant 1 : i32
        %dma_start3A_247 = arith.constant 0 : i32
        %dma_start3A_248 = tpu.memref_slice %arg9[%dma_start3A_246, %dma_start3A_247] : memref<2x4096xf32, #tpu.memory_space<vmem>> -> memref<1x4096xf32, #tpu.memory_space<vmem>>
        %dma_start3A_249 = tpu.memref_squeeze %dma_start3A_248 : memref<1x4096xf32, #tpu.memory_space<vmem>> -> memref<4096xf32, #tpu.memory_space<vmem>>
        %dma_start3A_250 = arith.constant 12288 : i32
        %dma_start3A_251 = tpu.memref_slice %arg5[%add3A, %dma_start3A_250] : memref<26x16384xf32, #tpu.memory_space<hbm>> -> memref<1x4096xf32, #tpu.memory_space<hbm>>
        %dma_start3A_252 = tpu.memref_squeeze %dma_start3A_251 : memref<1x4096xf32, #tpu.memory_space<hbm>> -> memref<4096xf32, #tpu.memory_space<hbm>>
        %dma_start3A_253 = arith.constant 12288 : i32
        %dma_start3A_254 = tpu.memref_slice %arg5[%add3A, %dma_start3A_253] : memref<26x16384xf32, #tpu.memory_space<hbm>> -> memref<1x4096xf32, #tpu.memory_space<hbm>>
        %dma_start3A_255 = tpu.memref_squeeze %dma_start3A_254 : memref<1x4096xf32, #tpu.memory_space<hbm>> -> memref<4096xf32, #tpu.memory_space<hbm>>
        %dma_start3A_256 = arith.constant 0 : i32
        %dma_start3A_257 = tpu.memref_slice %arg9[%dma_start3A_246, %dma_start3A_256] : memref<2x4096xf32, #tpu.memory_space<vmem>> -> memref<1x4096xf32, #tpu.memory_space<vmem>>
        %dma_start3A_258 = tpu.memref_squeeze %dma_start3A_257 : memref<1x4096xf32, #tpu.memory_space<vmem>> -> memref<4096xf32, #tpu.memory_space<vmem>>
        tpu.enqueue_dma source(%dma_start3A_258 : memref<4096xf32, #tpu.memory_space<vmem>>) target(%dma_start3A_255 : memref<4096xf32, #tpu.memory_space<hbm>>) target_semaphore(%arg12 : memref<!tpu.dma_semaphore, #tpu.memory_space<semaphore_mem>>)
      } else {
      }
      %while3A_245 = arith.constant 0 : i32
      scf.yield %while3A_245 : i32
    }
    %dma_wait3A = arith.constant 0 : i32
    %dma_wait3A_16 = arith.constant 0 : i32
    %dma_wait3A_17 = arith.constant 0 : i32
    %dma_wait3A_18 = tpu.memref_slice %arg9[%dma_wait3A, %dma_wait3A_17] : memref<2x4096xf32, #tpu.memory_space<vmem>> -> memref<1x4096xf32, #tpu.memory_space<vmem>>
    %dma_wait3A_19 = tpu.memref_squeeze %dma_wait3A_18 : memref<1x4096xf32, #tpu.memory_space<vmem>> -> memref<4096xf32, #tpu.memory_space<vmem>>
    %dma_wait3A_20 = arith.constant 0 : i32
    %dma_wait3A_21 = tpu.memref_slice %arg6[%dma_wait3A_16, %dma_wait3A_20] : memref<832x16384xf32, #tpu.memory_space<hbm>> -> memref<1x4096xf32, #tpu.memory_space<hbm>>
    %dma_wait3A_22 = tpu.memref_squeeze %dma_wait3A_21 : memref<1x4096xf32, #tpu.memory_space<hbm>> -> memref<4096xf32, #tpu.memory_space<hbm>>
    %dma_wait3A_23 = arith.constant 0 : i32
    %dma_wait3A_24 = tpu.memref_slice %arg6[%dma_wait3A_16, %dma_wait3A_23] : memref<832x16384xf32, #tpu.memory_space<hbm>> -> memref<1x4096xf32, #tpu.memory_space<hbm>>
    %dma_wait3A_25 = tpu.memref_squeeze %dma_wait3A_24 : memref<1x4096xf32, #tpu.memory_space<hbm>> -> memref<4096xf32, #tpu.memory_space<hbm>>
    %dma_wait3A_26 = arith.constant 0 : i32
    %dma_wait3A_27 = tpu.memref_slice %arg9[%dma_wait3A, %dma_wait3A_26] : memref<2x4096xf32, #tpu.memory_space<vmem>> -> memref<1x4096xf32, #tpu.memory_space<vmem>>
    %dma_wait3A_28 = tpu.memref_squeeze %dma_wait3A_27 : memref<1x4096xf32, #tpu.memory_space<vmem>> -> memref<4096xf32, #tpu.memory_space<vmem>>
    tpu.wait_dma2 semaphore(%arg12 : memref<!tpu.dma_semaphore, #tpu.memory_space<semaphore_mem>>) src(%dma_wait3A_28 : memref<4096xf32, #tpu.memory_space<vmem>>) dst(%dma_wait3A_25 : memref<4096xf32, #tpu.memory_space<hbm>>)
    return
  }
}

</mosaic_0001>

<sc_bundles>
// kernel: kernel.3.cloned.1.call-start
scs
__scs_entry_jumppad:
0x0: {  	(pc) =	sbr.rel $0x88, $3  }
0x1: {  	(tag) =	ssettag $0x0;
	lr =	simm.s32 $0x1  }
0x2: {  	[smem:$0x3F9E] =	sst lr;
	_ =	strace $0xD0000000  }
0x3: {  	_ = 	snop  }
0x4: {  	_ = 	snop  }
0x5: {  	_ = 	snop  }
0x6: {  	_ = 	snop  }
0x7: {  	_ = 	snop  }
__scs_overlays_trampoline_lowered:
0x8: {  	[smem:$0x3FAD] =	sst s0  }
0x9: {  	[smem:$0x3FAE] =	sst s1  }
0xa: {  	[smem:$0x3FAF] =	sst s2  }
0xb: {  	[smem:$0x3FB0] =	sst s3  }
0xc: {  	[smem:$0x3FB1] =	sst s4  }
0xd: {  	[smem:$0x3FB2] =	sst s5  }
0xe: {  	[smem:$0x3FB3] =	sst s6  }
0xf: {  	[smem:$0x3FB4] =	sst s7  }
0x10: {  	[smem:$0x3FB5] =	sst s8  }
0x11: {  	[smem:$0x3FB6] =	sst s9;
	s0 =	simm.s32 @!p0 $0x0  }
0x12: {  	s1 =	sld [smem:$0x3F9C];
	s0 =	simm.s32 @p0 $0x1  }
0x13: {  	[smem:$0x3FB7] =	sst s0;
	s0 =	simm.s32 @!p1 $0x0  }
0x14: {  	s2 =	sld [smem:$0x3F9B];
	s0 =	simm.s32 @p1 $0x1  }
0x15: {  	[smem:$0x3FB8] =	sst s0;
	s0 =	simm.s32 @!p2 $0x0  }
0x16: {  	s3 =	sld [smem:$0x3FDB];
	s0 =	simm.s32 @p2 $0x1  }
0x17: {  	s4 =	simm.s32 $0x1BF5;
	[smem:$0x3FBA] =	sst s0  }
0x18: {  	s0 =	sld [smem:$0x3F9D];
	_ =	swait.ge [sflag:s4], $0x0  }
0x19: {  	s7 =	sld [smem:$0x3F9E]  }
0x1a: {  	s8 =	sadd.s32 $0xFFFFE003, lr  }
0x1b: {  	s9 =	sadd.s32 $0xFFFFFEF7, lr;
	s5 =	simm.s32 $0xFFFFFFFF;
	p2 =	slt.u32 s8, $0xFFFFF086  }
0x1c: {  	p1 =	slt.u32 s9, $0xF7A;
	s5 =	simm.s32 @!p2 $0x0  }
0x1d: {  	s5 =	simm.s32 @p1 $0x1;
	p0 =	seq.s32 s7, s2  }
0x1e: {  	s7 =	smul.u32 @!p0 $0xF7A, s2;
	p2 =	seq.s32 @!p0 s5, $0x0  }
0x1f: {  	s9 =	smul.u32 $0xF7A, s1;
	s8 =	simm.s32 @!p0 $0x1BF5;
	p2 =	por !p2, p0  }
0x20: {  	[sflag:s8] =	ssyncset.s32 @!p0 $0xFFFFF086;
	s6 =	sadd.s32 @!p0 s3, s7;
	s7 =	simm.s32 @!p0 $0x108  }
0x21: {  	s3 =	sadd.s32 s3, s9;
	s6 =	sadd.s32 @!p0 $0x88, s6;
	s7 =	simm.s32 @p2 $0x1082  }
0x22: {  	[simem:s7], [sflag:s8] =	dma.local @!p0 [hbm:s6], $0xF7A  }
0x23: {  	s9 =	sor.u32 $0xD0000000, s2;
	s6 =	simm.s32 $0x108;
	_ =	swait.ge @!p0 [sflag:s8], $0x0  }
0x24: {  	s3 =	sadd.s32 $0x88, s3;
	s6 =	simm.s32 @!p1 $0x1082;
	[sflag:s4] =	ssyncset.s32 $0xFFFFF086  }
0x25: {  	[simem:s6], [sflag:s4] =	dma.local [hbm:s3], $0xF7A  }
0x26: {  	[smem:$0x3F9E] =	sst s1;
	(tag) =	ssettag s2;
	_ =	strace s9  }
0x27: {  	s1 =	sld [smem:$0x3FAE]  }
0x28: {  	s2 =	sld [smem:$0x3FAF]  }
0x29: {  	s4 =	sld [smem:$0x3FB1]  }
0x2a: {  	p0 =	seq.s32 s5, $0x0;
	s5 =	sld [smem:$0x3FB2]  }
0x2b: {  	s6 =	sld [smem:$0x3FB3]  }
0x2c: {  	s7 =	sld [smem:$0x3FB4]  }
0x2d: {  	s3 =	simm.s32 $0x108;
	s8 =	sld [smem:$0x3FB5]  }
0x2e: {  	s3 =	simm.s32 @!p0 $0x1082;
	s9 =	sld [smem:$0x3FB6]  }
0x2f: {  	lr =	sadd.s32 s0, s3;
	s0 =	sld [smem:$0x3FAD]  }
0x30: {  	s3 =	sld [smem:$0x3FB0]  }
0x31: {  	[smem:$0x3FB9] =	sst s10  }
0x32: {  	s10 =	sld [smem:$0x3FB7];
	_ =	sdelay $0x3  }
0x33: {  	p0 =	seq.s32 s10, $0x1;
	s10 =	sld [smem:$0x3FB9];
	_ =	sdelay $0x3  }
0x34: {  	[smem:$0x3FB9] =	sst s10  }
0x35: {  	s10 =	sld [smem:$0x3FB8];
	_ =	sdelay $0x3  }
0x36: {  	p1 =	seq.s32 s10, $0x1;
	s10 =	sld [smem:$0x3FB9];
	_ =	sdelay $0x3  }
0x37: {  	[smem:$0x3FB9] =	sst s10  }
0x38: {  	s10 =	sld [smem:$0x3FBA]  }
0x39: {  	_ = 	snop;
	(pc) =	sbr.ind lr, $3  }
0x3a: {  	_ = 	snop  }
0x3b: {  	_ = 	snop  }
0x3c: {  	p2 =	seq.s32 s10, $0x1;
	s10 =	sld [smem:$0x3FB9]  }
0x3d: {  	_ =	shalt  }
0x3e: {  	_ =	shalt  }
0x3f: {  	_ =	shalt  }
0x40: {  	_ =	shalt  }
0x41: {  	_ =	shalt  }
0x42: {  	_ =	shalt  }
0x43: {  	_ =	shalt  }
0x44: {  	_ =	shalt  }
0x45: {  	_ =	shalt  }
0x46: {  	_ =	shalt  }
0x47: {  	_ =	shalt  }
0x48: {  	_ =	shalt  }
0x49: {  	_ =	shalt  }
0x4a: {  	_ =	shalt  }
0x4b: {  	_ =	shalt  }
0x4c: {  	_ =	shalt  }
0x4d: {  	_ =	shalt  }
0x4e: {  	_ =	shalt  }
0x4f: {  	_ =	shalt  }
0x50: {  	_ =	shalt  }
0x51: {  	_ =	shalt  }
0x52: {  	_ =	shalt  }
0x53: {  	_ =	shalt  }
0x54: {  	_ =	shalt  }
0x55: {  	_ =	shalt  }
0x56: {  	_ =	shalt  }
0x57: {  	_ =	shalt  }
0x58: {  	_ =	shalt  }
0x59: {  	_ =	shalt  }
0x5a: {  	_ =	shalt  }
0x5b: {  	_ =	shalt  }
0x5c: {  	_ =	shalt  }
0x5d: {  	_ =	shalt  }
0x5e: {  	_ =	shalt  }
0x5f: {  	_ =	shalt  }
0x60: {  	_ =	shalt  }
0x61: {  	_ =	shalt  }
0x62: {  	_ =	shalt  }
0x63: {  	_ =	shalt  }
0x64: {  	_ =	shalt  }
0x65: {  	_ =	shalt  }
0x66: {  	_ =	shalt  }
0x67: {  	_ =	shalt  }
0x68: {  	_ =	shalt  }
0x69: {  	_ =	shalt  }
0x6a: {  	_ =	shalt  }
0x6b: {  	_ =	shalt  }
0x6c: {  	_ =	shalt  }
0x6d: {  	_ =	shalt  }
0x6e: {  	_ =	shalt  }
0x6f: {  	_ =	shalt  }
0x70: {  	_ =	shalt  }
0x71: {  	_ =	shalt  }
0x72: {  	_ =	shalt  }
0x73: {  	_ =	shalt  }
0x74: {  	_ =	shalt  }
0x75: {  	_ =	shalt  }
0x76: {  	_ =	shalt  }
0x77: {  	_ =	shalt  }
0x78: {  	_ =	shalt  }
0x79: {  	_ =	shalt  }
0x7a: {  	_ =	shalt  }
0x7b: {  	_ =	shalt  }
0x7c: {  	_ =	shalt  }
0x7d: {  	_ =	shalt  }
0x7e: {  	_ =	shalt  }
0x7f: {  	_ =	shalt  }
0x80: {  	_ =	shalt  }
0x81: {  	_ =	shalt  }
0x82: {  	_ =	shalt  }
0x83: {  	_ =	shalt  }
0x84: {  	_ =	shalt  }
0x85: {  	_ =	shalt  }
0x86: {  	_ =	shalt  }
0x87: {  	_ =	shalt  }
.Lfunc_end0:
.L_simem_size_0:
called_computation_lowered:
.L_overlay_start_0:
0x88: {  	s2 =	sld [smem:$0x3FD9]  }
0x89: {  	s3 =	sld [smem:$0x3FFE];
	_ =	sdelay $0x1  }
0x8a: {  	s1 =	srdreg.scid  }
0x8b: {  	s0 =	sand.u32 $0x1, s1  }
0x8c: {  	s14 =	sshll.u32 s0, $0xA;
	s2 =	sadd.s32 s3, s2  }
0x8d: {  	s2 =	sadd.s32 s2, s14  }
0x8e: {  	[smem:$0x3FC5] =	sst s2  }
0x8f: {  	_ = 	snop  }
0x90: {  	s2 =	sld [smem:$0x3FD0];
	_ =	sdelay $0x1  }
0x91: {  	s15 =	sld [smem:$0x3FC9]  }
0x92: {  	s5 =	simm.s32 $0xA;
	s6 =	simm.s32 $0x10;
	s4 =	sld [smem:$0x3FC8]  }
0x93: {  	[smem:s6], [sflag:s5] =	dma.local [hbm:s2], $0x1  }
0x94: {  	_ =	swait.eq [sflag:s5], $0x1  }
0x95: {  	[sflag:s5] =	ssyncset.done $0x0  }
0x96: {  	[sflag:s5] =	ssyncadd.s32 $0xFFFFFFFF  }
0x97: {  	s16 =	sld [smem:$0x11];
	(tm) =	ssettm $0x1  }
0x98: {  	s17 =	sld [smem:$0x3FFB];
	_ =	sdelay $0x3  }
0x99: {  	_ =	strace s17  }
0x9a: {  	s5 =	sld [smem:$0x3FFC];
	_ =	sdelay $0x3  }
0x9b: {  	_ =	strace s5  }
0x9c: {  	s5 =	sld [smem:$0x3FFD];
	_ =	sdelay $0x3  }
0x9d: {  	_ =	strace s5  }
0x9e: {  	_ =	strace $0x8FFFFFFF  }
0x9f: {  	s18 =	sld [smem:$0x3FDB];
	_ =	sdelay $0x1  }
0xa0: {  	s19 =	simm.s32 $_scs_section_size  }
0xa1: {  	s7 =	simm.s32 $_size__tile_overlayer_lowered;
	s8 =	simm.s32 $_tile_overlayer_lowered  }
0xa2: {  	s22 =	simm.s32 $0x1BFF;
	s21 =	sshll.u32 s8, $0x1;
	s5 =	sadd.s32 s19, s18  }
0xa3: {  	s9 =	simm.s32 $0x0;
	s20 =	sshll.u32 s7, $0x1;
	s7 =	sadd.s32 s21, s5  }
0xa4: {  	[timem:s9], [sflag:s22] =	dma.local [hbm:s7], s20  }
0xa5: {  	_ =	swait.ge [sflag:s22], s20  }
0xa6: {  	s6 =	ssub.s32 $0x0, s20;
	[sflag:s22] =	ssyncset.done $0x0  }
0xa7: {  	[sflag:s22] =	ssyncadd.s32 s6;
	_ =	sdelay $0x1  }
0xa8: {  	s23 =	simm.s32 $0x1B8B  }
0xa9: {  	_ =	swait.ge [sflag:s23], $0x1  }
0xaa: {  	[sflag:s23] =	ssyncset.done $0x0  }
0xab: {  	s25 =	simm.s32 $0x1B8E;
	s24 =	sld [smem:$0x3FFE];
	[sflag:s23] =	ssyncadd.s32 $0xFFFFFFFF  }
0xac: {  	s26 =	simm.s32 $execute0_lowered;
	[smem:$0x3FD2] =	sst s25  }
0xad: {  	s7 =	sshll.u32 s26, $0x1;
	_ =	strace $0x80000046;
	[dreg:$0x1] =	wrdreg $0xFFFFFFFF  }
0xae: {  	s28 =	simm.s32 $_size_execute0_lowered;
	s5 =	sadd.s32 s5, s7;
	[dreg:$0x0] =	wrdreg $0x0  }
0xaf: {  	s7 =	sshll.u32 s28, $0x1;
	[dreg:$0x2] =	wrdreg s5  }
0xb0: {  	[dreg:$0x3] =	wrdreg s7  }
0xb1: {  	[dreg:$0x4] =	wrdreg $0xC0  }
0xb2: {  	_ =	task [dreg:s9], $0x5FFFF  }
0xb3: {  	[dreg:$0x1] =	wrdreg $0xFFFFFFFF  }
0xb4: {  	[dreg:$0x0] =	wrdreg $0x60  }
0xb5: {  	[dreg:$0x2] =	wrdreg s15  }
0xb6: {  	[dreg:$0x3] =	wrdreg s4  }
0xb7: {  	[dreg:$0x4] =	wrdreg s24  }
0xb8: {  	[dreg:$0x5] =	wrdreg s16  }
0xb9: {  	[dreg:$0x6] =	wrdreg $0x9  }
0xba: {  	_ =	task.clear_ibuf [dreg:s9], $0x7FFFF;
	_ =	strace $0x90000046  }
0xbb: {  	s29 =	simm.s32 $0x9;
	_ =	strace $0x80000048  }
0xbc: {  	_ =	swait.ge [sflag:s29], $0x1  }
0xbd: {  	[sflag:s29] =	ssyncadd.s32 $0xFFFFFFFF  }
0xbe: {  	_ =	strace $0x90000048  }
0xbf: {  	_ =	sfence  }
0xc0: {  	s30 =	sld [smem:$0x0];
	_ =	sdelay $0x2  }
0xc1: {  	s31 =	sshll.u32 s1, $0xD;
	s1 =	sshrl.u32 s1, $0x2  }
0xc2: {  	s3 =	sand.u32 $0x4000, s31;
	s1 =	sadd.s32 s1, s30  }
0xc3: {  	s0 =	sor.u32 s3, s0;
	s1 =	sshll.u32 s1, $0x11  }
0xc4: {  	s0 =	sor.u32 s1, s0  }
0xc5: {  	s0 =	sadd.s32 $0x8F2B, s0  }
0xc6: {  	[sflag:s0] =	ssyncadd.remote.s32 $0x1  }
0xc7: {  	_ =	sfence.sel $0xFFFF  }
0xc8: {  	[dreg:$0x0] =	wrdreg $0xFFFFFFFF;
	(pc) =	sbr.abs _section_cstart, $3  }
0xc9: {  	[dreg:$0x1] =	wrdreg $0xFFFFFFFF  }
0xca: {  	_ =	task.clear_ibuf [dreg:s9], $0x2FFFF;
	_ =	strace $0x9FFFFFFF  }
0xcb: {  	(tm) =	ssettm $0x7FFFFFFF  }
tec
execute0_lowered:
.L_overlay_start_1:
0x0: {  	(tag) =	ssettag $0x1  }
0x1: {  	s1 =	rddreg [dreg:$0x0];
	s0 =	srdreg.scid  }
0x2: {  	s11 =	stileid.u32;
	s2 =	rddreg [dreg:$0x2]  }
0x3: {  	s14 =	rddreg [dreg:$0x3];
	s7 =	simm.s32 $0x0;
	s9 =	simm.s32 $0x1B  }
0x4: {  	s23 =	simm.s32 $0x80;
	s28 =	simm.s32 $0x2;
	s29 =	simm.s32 $0x3  }
0x5: {  	s0 =	sand.u32 $0x1, s0;
	s3 =	sshll.u32 s11, $0x1;
	s4 =	sshrl.u32 s11, $0x2  }
0x6: {  	[smem:$0x7FF] =	sst s7;
	p0 =	slt.u32 s11, $0xD;
	s10 =	sadd.s32 $0x1000, s1  }
0x7: {  	s25 =	sshll.u32 s11, $0xC;
	s12 =	sadd.s32 $0x2000, s1;
	s11 =	smov.u32 s14  }
0x8: {  	s15 =	sadd.s32 $0x3000, s1;
	s5 =	sor.u32 s0, s3;
	s4 =	smul.u32 $0xC3800, s4  }
0x9: {  	_ =	strace $0x80000047;
	s0 =	ssub.s32 $0x2, s0;
	s9 =	simm.s32 @!p0 $0x1A  }
0xa: {  	s26 =	sand.u32 $0xC000, s25;
	s6 =	sshll.u32 s5, $0x7;
	s24 =	sshrl.u32 s0, $0x1  }
0xb: {  	s13 =	sshll.u32 s5, $0x4;
	s30 =	sadd.s32 s14, s26;
	s8 =	sand.u32 $0x380, s6  }
0xc: {  	s0 =	ssub.s32 s0, s24;
	s18 =	sand.u32 $0x70, s13;
	s24 =	simm.s32 $0x400  }
0xd: {  	s4 =	sor.u32 s4, s8;
	s13 =	sadd.s32 s18, s30;
	s6 =	sor.u32 s18, s25  }
0xe: {  	s0 =	smax.u32 s0, $0x1;
	s25 =	simm.s32 $0x4;
	s4 =	sshrl.u32 s4, $0x3  }
0xf: {  	s16 =	sadd.s32 $0x1000, s13;
	s20 =	sor.u32 $0x3000, s6;
	[dreg:$0x6] =	wrdreg s0  }
.Ltmp0:
0x10: {  	s4 =	sadd.s32 s4, s2;
	s2 =	sadd.s32 $0x62400, s2;
	(pc) =	sbr.rel .LBB2_1-.Ltmp0, $4  }
0x11: {  	s4 =	sadd.s32 $0x800, s4;
	s31 =	sadd.s32 s2, s26;
	s21 =	sadd.s32 s2, s20  }
0x12: {  	[dreg:$0x5] =	wrdreg s4;
	s4 =	sor.u32 s18, s26;
	s14 =	sadd.s32 s18, s31  }
0x13: {  	s18 =	sadd.s32 $0x2000, s13;
	s26 =	simm.s32 $0x1;
	s4 =	sadd.s32 s4, s2  }
0x14: {  	s2 =	simm.s32 $0x0;
	s17 =	sadd.s32 $0x1000, s4;
	s19 =	sadd.s32 $0x2000, s4  }
.LBB2_56:
0x15: {  	_ =	swait.ge [sflag:s29], $0x1000  }
0x16: {  	s2 =	rddreg [dreg:$0x7]  }
0x17: {  	s0 =	rddreg [dreg:$0x6];
	s2 =	sadd.s32 $0x1, s2  }
0x18: {  	p0 =	sne.s32 s2, s0  }
.Ltmp1:
0x19: {  	_ = 	snop;
	(pc) =	sbr.rel @!p0 .LBB2_57-.Ltmp1, $3  }
0x1a: {  	_ =	sdelay $0x1  }
0x1b: {  	[sflag:s29] =	ssyncset.done $0x0  }
0x1c: {  	[sflag:s29] =	ssyncadd.s32 $0xFFFFF000  }
.LBB2_1:
.Ltmp2:
0x1d: {  	(pc) =	sbr.rel .LBB2_2-.Ltmp2, $2  }
0x1e: {  	_ =	sdelay $0x2  }
0x1f: {  	[dreg:$0x7] =	wrdreg s2;
	s31 =	simm.s32 $0x0  }
.LBB2_55:
0x20: {  	s31 =	sadd.s32 $0x1, s31  }
0x21: {  	p0 =	sne.s32 s31, s9  }
.Ltmp3:
0x22: {  	_ = 	snop;
	(pc) =	sbr.rel @!p0 .LBB2_56-.Ltmp3, $1  }
0x23: {  	_ =	sdelay $0x3  }
.LBB2_2:
0x24: {  	p2 =	sgt.u32 s31, $0x19;
	s0 =	smov.u32 s31  }
0x25: {  	s0 =	smov.u32 @p2 s5  }
0x26: {  	s2 =	sshll.u32 s0, $0xE;
	s0 =	sshll.u32 s0, $0x7  }
0x27: {  	s2 =	sand.u32 $0xFFFE0000, s2;
	s0 =	sand.u32 $0x380, s0  }
0x28: {  	s0 =	sor.u32 s0, s2  }
0x29: {  	s4 =	sshrl.u32 s0, $0x3  }
0x2a: {  	s22 =	simm.s32 $0x18700;
	s0 =	sadd.s32 s1, s4  }
0x2b: {  	s30 =	simm.s32 $0x80;
	s2 =	simm.s32 $0x18800;
	s6 =	sadd.s32 $0x0, s0  }
.LBB2_3:
0x2c: {  	[tilespmem:s22], [sflag:$0x1] =	stream.linear.gather [hbm4b:s6+s7], $0x80, $0x38;
	[tilespmem:$0x1C700] =	vst v63  }
0x2d: {  	s6 =	smov.u32 s30;
	s22 =	smov.u32 s2;
	p0 =	sne.s32 s30, $0xF80  }
.Ltmp4:
0x2e: {  	s30 =	sadd.s32 $0x80, s30;
	(pc) =	sbr.rel @p0 .LBB2_3-.Ltmp4, $2  }
0x2f: {  	_ =	sdelay $0x2  }
0x30: {  	s2 =	sadd.s32 $0x100, s2;
	s6 =	sadd.s32 s6, s0  }
0x31: {  	[tilespmem:s22], [sflag:$0x1] =	stream.linear.gather [hbm4b:s6+s7], $0x80, $0x38;
	[tilespmem:$0x1C700] =	vst v63  }
0x32: {  	s0 =	sadd.s32 s4, s10;
	s22 =	simm.s32 $0x18780  }
0x33: {  	s30 =	simm.s32 $0x80;
	s2 =	simm.s32 $0x18880;
	s6 =	sadd.s32 $0x0, s0  }
.LBB2_5:
0x34: {  	[tilespmem:s22], [sflag:$0x2] =	stream.linear.gather [hbm4b:s6+s7], $0x80, $0x38;
	[tilespmem:$0x1C700] =	vst v63  }
0x35: {  	s6 =	smov.u32 s30;
	s22 =	smov.u32 s2;
	p0 =	sne.s32 s30, $0xF80  }
.Ltmp5:
0x36: {  	s30 =	sadd.s32 $0x80, s30;
	(pc) =	sbr.rel @p0 .LBB2_5-.Ltmp5, $2  }
0x37: {  	_ =	sdelay $0x2  }
0x38: {  	s2 =	sadd.s32 $0x100, s2;
	s6 =	sadd.s32 s6, s0  }
0x39: {  	p1 =	sgt.u32 s31, $0x19  }
.Ltmp6:
0x3a: {  	_ = 	snop;
	(pc) =	sbr.rel @!p1 .LBB2_7-.Ltmp6, $2  }
0x3b: {  	_ =	sdelay $0x2  }
0x3c: {  	[tilespmem:s22], [sflag:$0x2] =	stream.linear.gather [hbm4b:s6+s7], $0x80, $0x38;
	[tilespmem:$0x1C700] =	vst v63  }
0x3d: {  	p3 =	sne.s32 s31, $0x1A  }
.Ltmp7:
0x3e: {  	_ = 	snop;
	(pc) =	sbr.rel @p3 .LBB2_11-.Ltmp7, $2  }
0x3f: {  	_ =	sdelay $0x2  }
0x40: {  	p0 =	por $0x0, $0x0  }
.Ltmp8:
0x41: {  	(pc) =	sbr.rel .LBB2_10-.Ltmp8, $2  }
0x42: {  	_ =	sdelay $0x2  }
0x43: {  	s0 =	rddreg [dreg:$0x5]  }
.LBB2_7:
0x44: {  	s0 =	sshll.u32 s31, $0x5  }
0x45: {  	s0 =	sor.u32 s3, s0  }
0x46: {  	s0 =	sshrl.u32 s0, $0x3  }
0x47: {  	s0 =	smul.u32 $0xC3800, s0;
	_ =	sdelay $0x1  }
0x48: {  	s0 =	sor.u32 s8, s0  }
0x49: {  	s2 =	rddreg [dreg:$0x1];
	s0 =	sshrl.u32 s0, $0x3  }
0x4a: {  	s0 =	sadd.s32 s2, s0  }
.LBB2_10:
0x4b: {  	[tilespmem:s7], [sflag:$0x4] =	stream.strided.gather [hbm4b:s0+s23], $0x18700, s24, s23, $0x38;
	[tilespmem:$0x1C700] =	vst v63  }
0x4c: {  	_ =	swait.ge [sflag:s25], $0x18700  }
0x4d: {  	[sflag:s25] =	ssyncset.done $0x0  }
0x4e: {  	p0 =	por p2, p2;
	[sflag:s25] =	ssyncadd.s32 $0xFFFE7900  }
.LBB2_11:
0x4f: {  	_ =	swait.ge [sflag:s26], $0x1000  }
0x50: {  	[sflag:s26] =	ssyncset.done $0x0  }
0x51: {  	s0 =	simm.s32 $0x18740;
	[sflag:s26] =	ssyncadd.s32 $0xFFFFF000  }
0x52: {  	v0 =	vld [tilespmem:s0+$0x30]  }
0x53: {  	v1 =	vld [tilespmem:s0+$0xFFFFFFD0]  }
0x54: {  	v2 =	vld [tilespmem:s0+$0xFFFFFFE0]  }
0x55: {  	v3 =	vld [tilespmem:s0+$0xFFFFFFF0]  }
0x56: {  	v6 =	vld [tilespmem:s0+$0x0]  }
0x57: {  	v7 =	vld [tilespmem:s0+$0x10]  }
0x58: {  	v8 =	vld [tilespmem:s0+$0x20]  }
0x59: {  	v9 =	vld [tilespmem:s0+$0xFFFFFFC0]  }
0x5a: {  	v10 =	vld.idx.msk [tilespmem:v0+s7+$0x0], $0xffff  }
0x5b: {  	v11 =	vld.idx.msk [tilespmem:v1+s7+$0x0], $0xffff  }
0x5c: {  	v5 =	vld.idx.msk [tilespmem:v2+s7+$0x0], $0xffff  }
0x5d: {  	v4 =	vld.idx.msk [tilespmem:v3+s7+$0x0], $0xffff  }
0x5e: {  	v0 =	vld.idx.msk [tilespmem:v6+s7+$0x0], $0xffff  }
0x5f: {  	s0 =	simm.s32 $0x1A740;
	v1 =	vld.idx.msk [tilespmem:v7+s7+$0x0], $0xffff  }
0x60: {  	v2 =	vld.idx.msk [tilespmem:v8+s7+$0x0], $0xffff;
	[tilespmem:s0+$0x30] =	vst v10  }
0x61: {  	s22 =	simm.s32 $0x0;
	s30 =	simm.s32 $0x18840;
	v3 =	vld.idx.msk [tilespmem:v9+s7+$0x0], $0xffff;
	[tilespmem:s0+$0xFFFFFFD0] =	vst v11  }
.LBB2_12:
0x62: {  	v6 =	vld [tilespmem:s30+$0x30];
	s22 =	sadd.s32 $0x80, s22;
	[tilespmem:s0+$0xFFFFFFE0] =	vst v5  }
0x63: {  	v5 =	vld [tilespmem:s30+$0xFFFFFFD0];
	p2 =	slt.u32 s22, $0xF80;
	[tilespmem:s0+$0xFFFFFFF0] =	vst v4  }
0x64: {  	v4 =	vld [tilespmem:s30+$0xFFFFFFE0];
	[tilespmem:s0+$0x0] =	vst v0  }
0x65: {  	v0 =	vld [tilespmem:s30+$0xFFFFFFF0];
	[tilespmem:s0+$0x10] =	vst v1  }
0x66: {  	v1 =	vld [tilespmem:s30+$0x0];
	[tilespmem:s0+$0x20] =	vst v2  }
0x67: {  	v2 =	vld [tilespmem:s30+$0x10];
	[tilespmem:s0+$0xFFFFFFC0] =	vst v3  }
0x68: {  	v3 =	vld [tilespmem:s30+$0x20]  }
0x69: {  	v7 =	vld [tilespmem:s30+$0xFFFFFFC0]  }
0x6a: {  	v6 =	vld.idx.msk [tilespmem:v6+s7+$0x0], $0xffff  }
0x6b: {  	v8 =	vld.idx.msk [tilespmem:v5+s7+$0x0], $0xffff  }
0x6c: {  	v5 =	vld.idx.msk [tilespmem:v4+s7+$0x0], $0xffff  }
.Ltmp9:
0x6d: {  	v4 =	vld.idx.msk [tilespmem:v0+s7+$0x0], $0xffff;
	(pc) =	sbr.rel @p2 .LBB2_12-.Ltmp9, $4  }
0x6e: {  	v0 =	vld.idx.msk [tilespmem:v1+s7+$0x0], $0xffff  }
0x6f: {  	s0 =	sadd.s32 $0x100, s0;
	v1 =	vld.idx.msk [tilespmem:v2+s7+$0x0], $0xffff  }
0x70: {  	v2 =	vld.idx.msk [tilespmem:v3+s7+$0x0], $0xffff;
	[tilespmem:s0+$0x30] =	vst v6  }
0x71: {  	s30 =	sadd.s32 $0x100, s30;
	v3 =	vld.idx.msk [tilespmem:v7+s7+$0x0], $0xffff;
	[tilespmem:s0+$0xFFFFFFD0] =	vst v8  }
0x72: {  	[tilespmem:s0+$0xFFFFFFE0] =	vst v5  }
0x73: {  	[tilespmem:s0+$0xFFFFFFF0] =	vst v4  }
0x74: {  	[tilespmem:s0+$0x0] =	vst v0  }
0x75: {  	[tilespmem:s0+$0x10] =	vst v1  }
0x76: {  	s22 =	sadd.s32 s4, s12;
	s30 =	simm.s32 $0x18700;
	[tilespmem:s0+$0x20] =	vst v2  }
0x77: {  	s2 =	simm.s32 $0x18800;
	s6 =	sadd.s32 $0x0, s22;
	[tilespmem:s0+$0xFFFFFFC0] =	vst v3;
	s0 =	simm.s32 $0x80  }
.LBB2_14:
0x78: {  	[tilespmem:s30], [sflag:$0x1] =	stream.linear.gather [hbm4b:s6+s7], $0x80, $0x38;
	[tilespmem:$0x1C700] =	vst v63  }
0x79: {  	s6 =	smov.u32 s0;
	s30 =	smov.u32 s2;
	p2 =	sne.s32 s0, $0xF80  }
.Ltmp10:
0x7a: {  	s0 =	sadd.s32 $0x80, s0;
	(pc) =	sbr.rel @p2 .LBB2_14-.Ltmp10, $2  }
0x7b: {  	_ =	sdelay $0x2  }
0x7c: {  	s2 =	sadd.s32 $0x100, s2;
	s6 =	sadd.s32 s6, s22  }
0x7d: {  	[tilespmem:s30], [sflag:$0x1] =	stream.linear.gather [hbm4b:s6+s7], $0x80, $0x38;
	[tilespmem:$0x1C700] =	vst v63  }
0x7e: {  	p2 =	seq.s32 s31, $0x0  }
0x7f: {  	p3 =	sgt.u32 @!p2 s31, $0x19  }
0x80: {  	p3 =	por p2, !p3  }
.Ltmp11:
0x81: {  	_ = 	snop;
	(pc) =	sbr.rel @!p3 .LBB2_19-.Ltmp11, $4  }
0x82: {  	s0 =	simm.s32 @!p2 $0x3  }
0x83: {  	_ =	swait.ge @!p2 [sflag:s0], $0x1000  }
0x84: {  	[sflag:s0] =	ssyncset.done @!p2 $0x0  }
0x85: {  	[sflag:s0] =	ssyncadd.s32 @!p2 $0xFFFFF000  }
0x86: {  	s0 =	sshll.u32 s31, $0x10  }
0x87: {  	s22 =	simm.s32 $0x1A700;
	s0 =	sadd.s32 s0, s13  }
0x88: {  	s30 =	simm.s32 $0x80;
	s2 =	simm.s32 $0x1A800;
	s6 =	sadd.s32 $0x0, s0  }
.LBB2_17:
0x89: {  	[hbm4b:s6+s7] =	stream.linear.scatter [tilespmem:s22], [sflag:$0x3], $0x80, $0x38;
	[tilespmem:$0x1C700] =	vst v63  }
0x8a: {  	s6 =	smov.u32 s30;
	s22 =	smov.u32 s2;
	p2 =	sne.s32 s30, $0xF80  }
.Ltmp12:
0x8b: {  	s30 =	sadd.s32 $0x80, s30;
	(pc) =	sbr.rel @p2 .LBB2_17-.Ltmp12, $2  }
0x8c: {  	_ =	sdelay $0x2  }
0x8d: {  	s2 =	sadd.s32 $0x100, s2;
	s6 =	sadd.s32 s6, s0  }
0x8e: {  	[hbm4b:s6+s7] =	stream.linear.scatter [tilespmem:s22], [sflag:$0x3], $0x80, $0x38;
	[tilespmem:$0x1C700] =	vst v63  }
.LBB2_19:
.Ltmp13:
0x8f: {  	(pc) =	sbr.rel @!p0 .LBB2_23-.Ltmp13, $1  }
0x90: {  	_ =	sdelay $0x3  }
0x91: {  	s0 =	simm.s32 $0x1A700  }
0x92: {  	s22 =	simm.s32 $0x80;
	s6 =	sadd.s32 $0x0, s14;
	s2 =	simm.s32 $0x1A800  }
.LBB2_21:
0x93: {  	[hbm4b:s6+s7] =	stream.linear.scatter [tilespmem:s0], [sflag:$0x3], $0x80, $0x38;
	[tilespmem:$0x1C700] =	vst v63  }
0x94: {  	s6 =	smov.u32 s22;
	s0 =	smov.u32 s2;
	p2 =	sne.s32 s22, $0xF80  }
.Ltmp14:
0x95: {  	s22 =	sadd.s32 $0x80, s22;
	(pc) =	sbr.rel @p2 .LBB2_21-.Ltmp14, $2  }
0x96: {  	_ =	sdelay $0x2  }
0x97: {  	s2 =	sadd.s32 $0x100, s2;
	s6 =	sadd.s32 s6, s14  }
0x98: {  	[hbm4b:s6+s7] =	stream.linear.scatter [tilespmem:s0], [sflag:$0x3], $0x80, $0x38;
	[tilespmem:$0x1C700] =	vst v63  }
.LBB2_23:
0x99: {  	_ =	swait.ge [sflag:s28], $0x1000  }
0x9a: {  	[sflag:s28] =	ssyncset.done $0x0  }
0x9b: {  	s0 =	simm.s32 $0x187F0;
	[sflag:s28] =	ssyncadd.s32 $0xFFFFF000  }
0x9c: {  	v0 =	vld [tilespmem:s0+$0x0]  }
0x9d: {  	v1 =	vld [tilespmem:s0+$0xFFFFFFA0]  }
0x9e: {  	v2 =	vld [tilespmem:s0+$0xFFFFFFB0]  }
0x9f: {  	v3 =	vld [tilespmem:s0+$0xFFFFFFC0]  }
0xa0: {  	v6 =	vld [tilespmem:s0+$0xFFFFFFD0]  }
0xa1: {  	v7 =	vld [tilespmem:s0+$0xFFFFFFE0]  }
0xa2: {  	v8 =	vld [tilespmem:s0+$0xFFFFFFF0]  }
0xa3: {  	v9 =	vld [tilespmem:s0+$0xFFFFFF90]  }
0xa4: {  	v10 =	vld.idx.msk [tilespmem:v0+s7+$0x0], $0xffff  }
0xa5: {  	v11 =	vld.idx.msk [tilespmem:v1+s7+$0x0], $0xffff  }
0xa6: {  	v5 =	vld.idx.msk [tilespmem:v2+s7+$0x0], $0xffff  }
0xa7: {  	v4 =	vld.idx.msk [tilespmem:v3+s7+$0x0], $0xffff  }
0xa8: {  	v0 =	vld.idx.msk [tilespmem:v6+s7+$0x0], $0xffff  }
0xa9: {  	s0 =	simm.s32 $0x1A7F0;
	v1 =	vld.idx.msk [tilespmem:v7+s7+$0x0], $0xffff  }
0xaa: {  	v2 =	vld.idx.msk [tilespmem:v8+s7+$0x0], $0xffff;
	[tilespmem:s0+$0x0] =	vst v10  }
0xab: {  	s22 =	simm.s32 $0x0;
	s30 =	simm.s32 $0x188F0;
	v3 =	vld.idx.msk [tilespmem:v9+s7+$0x0], $0xffff;
	[tilespmem:s0+$0xFFFFFFA0] =	vst v11  }
.LBB2_24:
0xac: {  	v6 =	vld [tilespmem:s30+$0x0];
	s22 =	sadd.s32 $0x80, s22;
	[tilespmem:s0+$0xFFFFFFB0] =	vst v5  }
0xad: {  	v5 =	vld [tilespmem:s30+$0xFFFFFFA0];
	p2 =	slt.u32 s22, $0xF80;
	[tilespmem:s0+$0xFFFFFFC0] =	vst v4  }
0xae: {  	v4 =	vld [tilespmem:s30+$0xFFFFFFB0];
	[tilespmem:s0+$0xFFFFFFD0] =	vst v0  }
0xaf: {  	v0 =	vld [tilespmem:s30+$0xFFFFFFC0];
	[tilespmem:s0+$0xFFFFFFE0] =	vst v1  }
0xb0: {  	v1 =	vld [tilespmem:s30+$0xFFFFFFD0];
	[tilespmem:s0+$0xFFFFFFF0] =	vst v2  }
0xb1: {  	v2 =	vld [tilespmem:s30+$0xFFFFFFE0];
	[tilespmem:s0+$0xFFFFFF90] =	vst v3  }
0xb2: {  	v3 =	vld [tilespmem:s30+$0xFFFFFFF0]  }
0xb3: {  	v7 =	vld [tilespmem:s30+$0xFFFFFF90]  }
0xb4: {  	v6 =	vld.idx.msk [tilespmem:v6+s7+$0x0], $0xffff  }
0xb5: {  	v8 =	vld.idx.msk [tilespmem:v5+s7+$0x0], $0xffff  }
0xb6: {  	v5 =	vld.idx.msk [tilespmem:v4+s7+$0x0], $0xffff  }
.Ltmp15:
0xb7: {  	v4 =	vld.idx.msk [tilespmem:v0+s7+$0x0], $0xffff;
	(pc) =	sbr.rel @p2 .LBB2_24-.Ltmp15, $4  }
0xb8: {  	v0 =	vld.idx.msk [tilespmem:v1+s7+$0x0], $0xffff  }
0xb9: {  	s0 =	sadd.s32 $0x100, s0;
	v1 =	vld.idx.msk [tilespmem:v2+s7+$0x0], $0xffff  }
0xba: {  	v2 =	vld.idx.msk [tilespmem:v3+s7+$0x0], $0xffff;
	[tilespmem:s0+$0x0] =	vst v6  }
0xbb: {  	s30 =	sadd.s32 $0x100, s30;
	v3 =	vld.idx.msk [tilespmem:v7+s7+$0x0], $0xffff;
	[tilespmem:s0+$0xFFFFFFA0] =	vst v8  }
0xbc: {  	[tilespmem:s0+$0xFFFFFFB0] =	vst v5  }
0xbd: {  	[tilespmem:s0+$0xFFFFFFC0] =	vst v4  }
0xbe: {  	[tilespmem:s0+$0xFFFFFFD0] =	vst v0  }
0xbf: {  	[tilespmem:s0+$0xFFFFFFE0] =	vst v1  }
0xc0: {  	s4 =	sadd.s32 s4, s15;
	s22 =	simm.s32 $0x18780;
	[tilespmem:s0+$0xFFFFFFF0] =	vst v2  }
0xc1: {  	s2 =	simm.s32 $0x18880;
	s6 =	sadd.s32 $0x0, s4;
	[tilespmem:s0+$0xFFFFFF90] =	vst v3;
	s0 =	simm.s32 $0x80  }
.LBB2_26:
0xc2: {  	[tilespmem:s22], [sflag:$0x2] =	stream.linear.gather [hbm4b:s6+s7], $0x80, $0x38;
	[tilespmem:$0x1C700] =	vst v63  }
0xc3: {  	s6 =	smov.u32 s0;
	s22 =	smov.u32 s2;
	p2 =	sne.s32 s0, $0xF80  }
.Ltmp16:
0xc4: {  	s0 =	sadd.s32 $0x80, s0;
	(pc) =	sbr.rel @p2 .LBB2_26-.Ltmp16, $2  }
0xc5: {  	_ =	sdelay $0x2  }
0xc6: {  	s2 =	sadd.s32 $0x100, s2;
	s6 =	sadd.s32 s6, s4  }
.Ltmp17:
0xc7: {  	(pc) =	sbr.rel @p1 .LBB2_31-.Ltmp17, $4  }
0xc8: {  	[tilespmem:s22], [sflag:$0x2] =	stream.linear.gather [hbm4b:s6+s7], $0x80, $0x38;
	[tilespmem:$0x1C700] =	vst v63  }
0xc9: {  	_ =	swait.ge [sflag:s29], $0x1000  }
0xca: {  	[sflag:s29] =	ssyncset.done $0x0  }
0xcb: {  	[sflag:s29] =	ssyncadd.s32 $0xFFFFF000  }
0xcc: {  	s0 =	sshll.u32 s31, $0x10  }
0xcd: {  	s4 =	simm.s32 $0x1A780;
	s0 =	sadd.s32 s0, s16  }
0xce: {  	s22 =	simm.s32 $0x80;
	s2 =	simm.s32 $0x1A880;
	s6 =	sadd.s32 $0x0, s0  }
.LBB2_29:
0xcf: {  	[hbm4b:s6+s7] =	stream.linear.scatter [tilespmem:s4], [sflag:$0x3], $0x80, $0x38;
	[tilespmem:$0x1C700] =	vst v63  }
0xd0: {  	s6 =	smov.u32 s22;
	s4 =	smov.u32 s2;
	p2 =	sne.s32 s22, $0xF80  }
.Ltmp18:
0xd1: {  	s22 =	sadd.s32 $0x80, s22;
	(pc) =	sbr.rel @p2 .LBB2_29-.Ltmp18, $2  }
0xd2: {  	_ =	sdelay $0x2  }
0xd3: {  	s2 =	sadd.s32 $0x100, s2;
	s6 =	sadd.s32 s6, s0  }
0xd4: {  	[hbm4b:s6+s7] =	stream.linear.scatter [tilespmem:s4], [sflag:$0x3], $0x80, $0x38;
	[tilespmem:$0x1C700] =	vst v63  }
.LBB2_31:
.Ltmp19:
0xd5: {  	(pc) =	sbr.rel @!p0 .LBB2_35-.Ltmp19, $1  }
0xd6: {  	_ =	sdelay $0x3  }
0xd7: {  	s0 =	simm.s32 $0x1A780  }
0xd8: {  	s4 =	simm.s32 $0x80;
	s6 =	sadd.s32 $0x0, s17;
	s2 =	simm.s32 $0x1A880  }
.LBB2_33:
0xd9: {  	[hbm4b:s6+s7] =	stream.linear.scatter [tilespmem:s0], [sflag:$0x3], $0x80, $0x38;
	[tilespmem:$0x1C700] =	vst v63  }
0xda: {  	s6 =	smov.u32 s4;
	s0 =	smov.u32 s2;
	p2 =	sne.s32 s4, $0xF80  }
.Ltmp20:
0xdb: {  	s4 =	sadd.s32 $0x80, s4;
	(pc) =	sbr.rel @p2 .LBB2_33-.Ltmp20, $2  }
0xdc: {  	_ =	sdelay $0x2  }
0xdd: {  	s2 =	sadd.s32 $0x100, s2;
	s6 =	sadd.s32 s6, s17  }
0xde: {  	[hbm4b:s6+s7] =	stream.linear.scatter [tilespmem:s0], [sflag:$0x3], $0x80, $0x38;
	[tilespmem:$0x1C700] =	vst v63  }
.LBB2_35:
0xdf: {  	_ =	swait.ge [sflag:s26], $0x1000  }
0xe0: {  	[sflag:s26] =	ssyncset.done $0x0  }
0xe1: {  	s0 =	simm.s32 $0x18740;
	[sflag:s26] =	ssyncadd.s32 $0xFFFFF000  }
0xe2: {  	v0 =	vld [tilespmem:s0+$0x30]  }
0xe3: {  	v1 =	vld [tilespmem:s0+$0xFFFFFFD0]  }
0xe4: {  	v2 =	vld [tilespmem:s0+$0xFFFFFFE0]  }
0xe5: {  	v3 =	vld [tilespmem:s0+$0xFFFFFFF0]  }
0xe6: {  	v4 =	vld [tilespmem:s0+$0x0]  }
0xe7: {  	v6 =	vld [tilespmem:s0+$0x10]  }
0xe8: {  	v7 =	vld [tilespmem:s0+$0x20]  }
0xe9: {  	v8 =	vld [tilespmem:s0+$0xFFFFFFC0]  }
0xea: {  	v9 =	vld.idx.msk [tilespmem:v0+s7+$0x0], $0xffff  }
0xeb: {  	v10 =	vld.idx.msk [tilespmem:v1+s7+$0x0], $0xffff  }
0xec: {  	v5 =	vld.idx.msk [tilespmem:v2+s7+$0x0], $0xffff  }
0xed: {  	v3 =	vld.idx.msk [tilespmem:v3+s7+$0x0], $0xffff  }
0xee: {  	v0 =	vld.idx.msk [tilespmem:v4+s7+$0x0], $0xffff  }
0xef: {  	s0 =	simm.s32 $0x1A740;
	v1 =	vld.idx.msk [tilespmem:v6+s7+$0x0], $0xffff  }
0xf0: {  	v2 =	vld.idx.msk [tilespmem:v7+s7+$0x0], $0xffff;
	[tilespmem:s0+$0x30] =	vst v9  }
0xf1: {  	s4 =	simm.s32 $0x0;
	s22 =	simm.s32 $0x18840;
	v4 =	vld.idx.msk [tilespmem:v8+s7+$0x0], $0xffff;
	[tilespmem:s0+$0xFFFFFFD0] =	vst v10  }
.LBB2_36:
0xf2: {  	v6 =	vld [tilespmem:s22+$0x30];
	s4 =	sadd.s32 $0x80, s4;
	[tilespmem:s0+$0xFFFFFFE0] =	vst v5  }
0xf3: {  	v5 =	vld [tilespmem:s22+$0xFFFFFFD0];
	p2 =	slt.u32 s4, $0xF80;
	[tilespmem:s0+$0xFFFFFFF0] =	vst v3  }
0xf4: {  	v3 =	vld [tilespmem:s22+$0xFFFFFFE0];
	[tilespmem:s0+$0x0] =	vst v0  }
0xf5: {  	v0 =	vld [tilespmem:s22+$0xFFFFFFF0];
	[tilespmem:s0+$0x10] =	vst v1  }
0xf6: {  	v1 =	vld [tilespmem:s22+$0x0];
	[tilespmem:s0+$0x20] =	vst v2  }
0xf7: {  	v2 =	vld [tilespmem:s22+$0x10];
	[tilespmem:s0+$0xFFFFFFC0] =	vst v4  }
0xf8: {  	v4 =	vld [tilespmem:s22+$0x20]  }
0xf9: {  	v7 =	vld [tilespmem:s22+$0xFFFFFFC0]  }
0xfa: {  	v6 =	vld.idx.msk [tilespmem:v6+s7+$0x0], $0xffff  }
0xfb: {  	v8 =	vld.idx.msk [tilespmem:v5+s7+$0x0], $0xffff  }
0xfc: {  	v5 =	vld.idx.msk [tilespmem:v3+s7+$0x0], $0xffff  }
.Ltmp21:
0xfd: {  	v3 =	vld.idx.msk [tilespmem:v0+s7+$0x0], $0xffff;
	(pc) =	sbr.rel @p2 .LBB2_36-.Ltmp21, $4  }
0xfe: {  	v0 =	vld.idx.msk [tilespmem:v1+s7+$0x0], $0xffff  }
0xff: {  	s0 =	sadd.s32 $0x100, s0;
	v1 =	vld.idx.msk [tilespmem:v2+s7+$0x0], $0xffff  }
0x100: {  	v2 =	vld.idx.msk [tilespmem:v4+s7+$0x0], $0xffff;
	[tilespmem:s0+$0x30] =	vst v6  }
0x101: {  	s22 =	sadd.s32 $0x100, s22;
	v4 =	vld.idx.msk [tilespmem:v7+s7+$0x0], $0xffff;
	[tilespmem:s0+$0xFFFFFFD0] =	vst v8  }
0x102: {  	[tilespmem:s0+$0xFFFFFFE0] =	vst v5  }
0x103: {  	[tilespmem:s0+$0xFFFFFFF0] =	vst v3  }
0x104: {  	[tilespmem:s0+$0x0] =	vst v0  }
0x105: {  	[tilespmem:s0+$0x10] =	vst v1  }
.Ltmp22:
0x106: {  	[tilespmem:s0+$0x20] =	vst v2;
	(pc) =	sbr.rel @p1 .LBB2_41-.Ltmp22, $4  }
0x107: {  	[tilespmem:s0+$0xFFFFFFC0] =	vst v4  }
0x108: {  	_ =	swait.ge [sflag:s29], $0x1000  }
0x109: {  	[sflag:s29] =	ssyncset.done $0x0  }
0x10a: {  	[sflag:s29] =	ssyncadd.s32 $0xFFFFF000  }
0x10b: {  	s0 =	sshll.u32 s31, $0x10  }
0x10c: {  	s4 =	simm.s32 $0x1A700;
	s0 =	sadd.s32 s0, s18  }
0x10d: {  	s22 =	simm.s32 $0x80;
	s2 =	simm.s32 $0x1A800;
	s6 =	sadd.s32 $0x0, s0  }
.LBB2_39:
0x10e: {  	[hbm4b:s6+s7] =	stream.linear.scatter [tilespmem:s4], [sflag:$0x3], $0x80, $0x38;
	[tilespmem:$0x1C700] =	vst v63  }
0x10f: {  	s6 =	smov.u32 s22;
	s4 =	smov.u32 s2;
	p2 =	sne.s32 s22, $0xF80  }
.Ltmp23:
0x110: {  	s22 =	sadd.s32 $0x80, s22;
	(pc) =	sbr.rel @p2 .LBB2_39-.Ltmp23, $2  }
0x111: {  	_ =	sdelay $0x2  }
0x112: {  	s2 =	sadd.s32 $0x100, s2;
	s6 =	sadd.s32 s6, s0  }
0x113: {  	[hbm4b:s6+s7] =	stream.linear.scatter [tilespmem:s4], [sflag:$0x3], $0x80, $0x38;
	[tilespmem:$0x1C700] =	vst v63  }
.LBB2_41:
.Ltmp24:
0x114: {  	(pc) =	sbr.rel @!p0 .LBB2_45-.Ltmp24, $1  }
0x115: {  	_ =	sdelay $0x3  }
0x116: {  	s0 =	simm.s32 $0x1A700  }
0x117: {  	s4 =	simm.s32 $0x80;
	s6 =	sadd.s32 $0x0, s19;
	s2 =	simm.s32 $0x1A800  }
.LBB2_43:
0x118: {  	[hbm4b:s6+s7] =	stream.linear.scatter [tilespmem:s0], [sflag:$0x3], $0x80, $0x38;
	[tilespmem:$0x1C700] =	vst v63  }
0x119: {  	s6 =	smov.u32 s4;
	s0 =	smov.u32 s2;
	p2 =	sne.s32 s4, $0xF80  }
.Ltmp25:
0x11a: {  	s4 =	sadd.s32 $0x80, s4;
	(pc) =	sbr.rel @p2 .LBB2_43-.Ltmp25, $2  }
0x11b: {  	_ =	sdelay $0x2  }
0x11c: {  	s2 =	sadd.s32 $0x100, s2;
	s6 =	sadd.s32 s6, s19  }
0x11d: {  	[hbm4b:s6+s7] =	stream.linear.scatter [tilespmem:s0], [sflag:$0x3], $0x80, $0x38;
	[tilespmem:$0x1C700] =	vst v63  }
.LBB2_45:
0x11e: {  	_ =	swait.ge [sflag:s28], $0x1000  }
0x11f: {  	[sflag:s28] =	ssyncset.done $0x0  }
0x120: {  	s0 =	simm.s32 $0x187F0;
	[sflag:s28] =	ssyncadd.s32 $0xFFFFF000  }
0x121: {  	v0 =	vld [tilespmem:s0+$0x0]  }
0x122: {  	v1 =	vld [tilespmem:s0+$0xFFFFFFA0]  }
0x123: {  	v2 =	vld [tilespmem:s0+$0xFFFFFFB0]  }
0x124: {  	v3 =	vld [tilespmem:s0+$0xFFFFFFC0]  }
0x125: {  	v4 =	vld [tilespmem:s0+$0xFFFFFFD0]  }
0x126: {  	v6 =	vld [tilespmem:s0+$0xFFFFFFE0]  }
0x127: {  	v7 =	vld [tilespmem:s0+$0xFFFFFFF0]  }
0x128: {  	v8 =	vld [tilespmem:s0+$0xFFFFFF90]  }
0x129: {  	v9 =	vld.idx.msk [tilespmem:v0+s7+$0x0], $0xffff  }
0x12a: {  	v10 =	vld.idx.msk [tilespmem:v1+s7+$0x0], $0xffff  }
0x12b: {  	v5 =	vld.idx.msk [tilespmem:v2+s7+$0x0], $0xffff  }
0x12c: {  	v3 =	vld.idx.msk [tilespmem:v3+s7+$0x0], $0xffff  }
0x12d: {  	v0 =	vld.idx.msk [tilespmem:v4+s7+$0x0], $0xffff  }
0x12e: {  	s0 =	simm.s32 $0x1A7F0;
	v1 =	vld.idx.msk [tilespmem:v6+s7+$0x0], $0xffff  }
0x12f: {  	v2 =	vld.idx.msk [tilespmem:v7+s7+$0x0], $0xffff;
	[tilespmem:s0+$0x0] =	vst v9  }
0x130: {  	s4 =	simm.s32 $0x0;
	s22 =	simm.s32 $0x188F0;
	v4 =	vld.idx.msk [tilespmem:v8+s7+$0x0], $0xffff;
	[tilespmem:s0+$0xFFFFFFA0] =	vst v10  }
.LBB2_46:
0x131: {  	v6 =	vld [tilespmem:s22+$0x0];
	s4 =	sadd.s32 $0x80, s4;
	[tilespmem:s0+$0xFFFFFFB0] =	vst v5  }
0x132: {  	v5 =	vld [tilespmem:s22+$0xFFFFFFA0];
	p2 =	slt.u32 s4, $0xF80;
	[tilespmem:s0+$0xFFFFFFC0] =	vst v3  }
0x133: {  	v3 =	vld [tilespmem:s22+$0xFFFFFFB0];
	[tilespmem:s0+$0xFFFFFFD0] =	vst v0  }
0x134: {  	v0 =	vld [tilespmem:s22+$0xFFFFFFC0];
	[tilespmem:s0+$0xFFFFFFE0] =	vst v1  }
0x135: {  	v1 =	vld [tilespmem:s22+$0xFFFFFFD0];
	[tilespmem:s0+$0xFFFFFFF0] =	vst v2  }
0x136: {  	v2 =	vld [tilespmem:s22+$0xFFFFFFE0];
	[tilespmem:s0+$0xFFFFFF90] =	vst v4  }
0x137: {  	v4 =	vld [tilespmem:s22+$0xFFFFFFF0]  }
0x138: {  	v7 =	vld [tilespmem:s22+$0xFFFFFF90]  }
0x139: {  	v6 =	vld.idx.msk [tilespmem:v6+s7+$0x0], $0xffff  }
0x13a: {  	v8 =	vld.idx.msk [tilespmem:v5+s7+$0x0], $0xffff  }
0x13b: {  	v5 =	vld.idx.msk [tilespmem:v3+s7+$0x0], $0xffff  }
.Ltmp26:
0x13c: {  	v3 =	vld.idx.msk [tilespmem:v0+s7+$0x0], $0xffff;
	(pc) =	sbr.rel @p2 .LBB2_46-.Ltmp26, $4  }
0x13d: {  	v0 =	vld.idx.msk [tilespmem:v1+s7+$0x0], $0xffff  }
0x13e: {  	s0 =	sadd.s32 $0x100, s0;
	v1 =	vld.idx.msk [tilespmem:v2+s7+$0x0], $0xffff  }
0x13f: {  	v2 =	vld.idx.msk [tilespmem:v4+s7+$0x0], $0xffff;
	[tilespmem:s0+$0x0] =	vst v6  }
0x140: {  	s22 =	sadd.s32 $0x100, s22;
	v4 =	vld.idx.msk [tilespmem:v7+s7+$0x0], $0xffff;
	[tilespmem:s0+$0xFFFFFFA0] =	vst v8  }
0x141: {  	[tilespmem:s0+$0xFFFFFFB0] =	vst v5  }
0x142: {  	[tilespmem:s0+$0xFFFFFFC0] =	vst v3  }
0x143: {  	[tilespmem:s0+$0xFFFFFFD0] =	vst v0  }
0x144: {  	[tilespmem:s0+$0xFFFFFFE0] =	vst v1  }
.Ltmp27:
0x145: {  	[tilespmem:s0+$0xFFFFFFF0] =	vst v2;
	(pc) =	sbr.rel @p1 .LBB2_51-.Ltmp27, $4  }
0x146: {  	[tilespmem:s0+$0xFFFFFF90] =	vst v4  }
0x147: {  	_ =	swait.ge [sflag:s29], $0x1000  }
0x148: {  	[sflag:s29] =	ssyncset.done $0x0  }
0x149: {  	[sflag:s29] =	ssyncadd.s32 $0xFFFFF000  }
0x14a: {  	s0 =	sshll.u32 s31, $0x10  }
0x14b: {  	s0 =	sor.u32 s20, s0  }
0x14c: {  	s4 =	simm.s32 $0x1A780;
	s0 =	sadd.s32 s11, s0  }
0x14d: {  	s22 =	simm.s32 $0x80;
	s2 =	simm.s32 $0x1A880;
	s6 =	sadd.s32 $0x0, s0  }
.LBB2_49:
0x14e: {  	[hbm4b:s6+s7] =	stream.linear.scatter [tilespmem:s4], [sflag:$0x3], $0x80, $0x38;
	[tilespmem:$0x1C700] =	vst v63  }
0x14f: {  	s6 =	smov.u32 s22;
	s4 =	smov.u32 s2;
	p1 =	sne.s32 s22, $0xF80  }
.Ltmp28:
0x150: {  	s22 =	sadd.s32 $0x80, s22;
	(pc) =	sbr.rel @p1 .LBB2_49-.Ltmp28, $2  }
0x151: {  	_ =	sdelay $0x2  }
0x152: {  	s2 =	sadd.s32 $0x100, s2;
	s6 =	sadd.s32 s6, s0  }
0x153: {  	[hbm4b:s6+s7] =	stream.linear.scatter [tilespmem:s4], [sflag:$0x3], $0x80, $0x38;
	[tilespmem:$0x1C700] =	vst v63  }
.LBB2_51:
.Ltmp29:
0x154: {  	(pc) =	sbr.rel @!p0 .LBB2_55-.Ltmp29, $1  }
0x155: {  	_ =	sdelay $0x3  }
0x156: {  	s0 =	simm.s32 $0x1A780  }
0x157: {  	s4 =	simm.s32 $0x80;
	s6 =	sadd.s32 $0x0, s21;
	s2 =	simm.s32 $0x1A880  }
.LBB2_53:
0x158: {  	[hbm4b:s6+s7] =	stream.linear.scatter [tilespmem:s0], [sflag:$0x3], $0x80, $0x38;
	[tilespmem:$0x1C700] =	vst v63  }
0x159: {  	s6 =	smov.u32 s4;
	s0 =	smov.u32 s2;
	p0 =	sne.s32 s4, $0xF80  }
.Ltmp30:
0x15a: {  	s4 =	sadd.s32 $0x80, s4;
	(pc) =	sbr.rel @p0 .LBB2_53-.Ltmp30, $2  }
0x15b: {  	_ =	sdelay $0x2  }
0x15c: {  	s2 =	sadd.s32 $0x100, s2;
	s6 =	sadd.s32 s6, s21  }
.Ltmp31:
0x15d: {  	(pc) =	sbr.rel .LBB2_55-.Ltmp31, $2  }
0x15e: {  	_ =	sdelay $0x2  }
0x15f: {  	[hbm4b:s6+s7] =	stream.linear.scatter [tilespmem:s0], [sflag:$0x3], $0x80, $0x38;
	[tilespmem:$0x1C700] =	vst v63  }
.LBB2_57:
0x160: {  	_ =	sfence.sel $0x180000  }
0x161: {  	[bflag:$0x0] =	sbarrier.arrive $0xFFFF  }
0x162: {  	_ =	strace $0x90000047  }
0x163: {  	s0 =	stileid.u32;
	[bflag:$0x2] =	sbarrier.arrive $0xFFFF  }
0x164: {  	p0 =	sne.s32 s0, $0x0;
	s0 =	rddreg [dreg:$0x4]  }
0x165: {  	s0 =	sadd.s32 @!p0 $0x100000, s0  }
0x166: {  	[sflag:s0] =	ssyncadd.tile.s32 @!p0 $0x1;
	_ =	shalt  }
.Lfunc_end2:
_tile_overlayer_lowered:
.L_overlay_start_2:
0x167: {  	(tag) =	ssettag $0x2  }
0x168: {  	s0 =	rddreg [dreg:$0x0];
	s2 =	stileid.u32  }
0x169: {  	s1 =	rddreg [dreg:$0x1];
	p0 =	sne.s32 s2, $0x0  }
0x16a: {  	s3 =	rddreg [dreg:$0x2];
	[bflag:$0x3] =	sbarrier.arrive $0xFFFF;
	s2 =	simm.s32 @!p0 $0x1C04  }
0x16b: {  	[timem:s3], [sflag:s2] =	dma.local @!p0 [hbm:s0], s1  }
0x16c: {  	s0 =	simm.s32 @!p0 $0x4  }
0x16d: {  	_ =	swait.ge @!p0 [sflag:s0], s1  }
0x16e: {  	s1 =	ssub.s32 @!p0 $0x0, s1;
	[sflag:s0] =	ssyncset.done @!p0 $0x0  }
0x16f: {  	[sflag:s0] =	ssyncadd.s32 @!p0 s1  }
0x170: {  	[bflag:$0x3] =	sbarrier.arrive $0xFFFF  }
0x171: {  	_ =	shalt  }

</sc_bundles>
